<compile_context>
chip_gen: v7x
topology: tpu7x:2x2x1
jax: 0.10.2.dev20260603
libtpu: 0.0.44.dev20260713+nightly
codegen_flags: <defaults>
</compile_context>

<pallas_src>
import functools

import jax
import jax.numpy as jnp
from jax import lax
from jax.experimental import pallas as pl
from jax.experimental.pallas import tpu as pltpu
from jax.experimental.pallas import tpu_sc as plsc

DIM = 32
CB = 128
L = 16

_info = plsc.get_sparse_core_info()
NC = _info.num_cores
NS = _info.num_subcores
NW = NC * NS


def _make_lookup(vocab, batch, seq):
    mesh = plsc.VectorSubcoreMesh(core_axis_name="c", subcore_axis_name="s")
    nchunk = batch // CB

    @functools.partial(
        pl.kernel,
        mesh=mesh,
        compiler_params=pltpu.CompilerParams(needs_layout_passes=False),
        out_type=jax.ShapeDtypeStruct((seq, DIM, batch), jnp.float32),
        scratch_types=[
            pltpu.VMEM((vocab,), jnp.float32),
            pltpu.VMEM((seq, CB), jnp.int32),
            pltpu.VMEM((seq, CB), jnp.int32),
            pltpu.VMEM((seq, CB), jnp.float32),
            pltpu.VMEM((seq, CB), jnp.float32),
            pltpu.SemaphoreType.DMA((2,)),
            pltpu.SemaphoreType.DMA((2,)),
        ],
    )
    def lookup(
        tableT_hbm, seqsT_hbm, outp_hbm, trow_v, idx0, idx1, ob0, ob1, isem, osem
    ):
        d = lax.axis_index("s") * NC + lax.axis_index("c")
        pltpu.sync_copy(tableT_hbm.at[d], trow_v)
        bufs = ((idx0, ob0), (idx1, ob1))

        def fire_idx(g, b):
            pltpu.async_copy(
                seqsT_hbm.at[:, pl.ds(g * CB, CB)], bufs[b][0], isem.at[b]
            )

        def drain_idx(b):
            pltpu.make_async_copy(
                seqsT_hbm.at[:, pl.ds(0, CB)], bufs[b][0], isem.at[b]
            ).wait()

        def out_start(g, b):
            pltpu.async_copy(
                bufs[b][1], outp_hbm.at[:, d, pl.ds(g * CB, CB)], osem.at[b]
            )

        def out_wait(b):
            pltpu.make_async_copy(
                bufs[b][1], outp_hbm.at[:, d, pl.ds(0, CB)], osem.at[b]
            ).wait()

        fire_idx(0, 0)

        def outer(it, carry):
            for b in range(2):
                g = it * 2 + b
                idx_v, obuf_v = bufs[b]
                drain_idx(b)

                @pl.when(g + 1 <= nchunk - 1)
                def _():
                    fire_idx(g + 1, 1 - b)

                @pl.when(g >= 2)
                def _():
                    out_wait(b)

                @plsc.parallel_loop(0, seq, unroll=2)
                def _row(s):
                    for j in range(CB // L):
                        vidx = idx_v[s, pl.ds(j * L, L)]
                        vals = plsc.load_gather(trow_v, [vidx])
                        obuf_v[s, pl.ds(j * L, L)] = vals
                out_start(g, b)
            return carry

        lax.fori_loop(0, nchunk // 2, outer, 0)
        out_wait(0)
        out_wait(1)

    return lookup


def kernel(table, text_seqs):
    batch, seq = text_seqs.shape
    vocab = table.shape[0]
    assert batch % (2 * CB) == 0
    out_p = _make_lookup(vocab, batch, seq)(table.T, text_seqs.T)
    return jnp.transpose(out_p, (2, 0, 1))

# --- scband reference (transcript-rebuilt; emitter-appended) ---
"""Pipeline reference for scband-textvectors-46943992545367 (READ-ONLY COPY).

The authoritative reference and input builder live on the scoring server;
editing this copy changes nothing except your own understanding.
"""

import jax, jax.numpy as jnp
import numpy as np

VOCAB = 100000
DIM = 32
PAD = 0
BATCH = 16384
SEQ = 50


def setup_inputs(seed: int = 0) -> dict:
    key = jax.random.key(seed)
    k_idx, k_tbl = jax.random.split(key)
    text_seqs = jax.random.randint(k_idx, (BATCH, SEQ), 0, VOCAB, dtype=jnp.int32)
    table = jax.random.normal(k_tbl, (VOCAB, DIM), dtype=jnp.float32)
    # nn.Embedding with padding_idx=PAD initializes that row to zeros
    table = table.at[PAD].set(0.0)
    return {"table": table, "text_seqs": text_seqs}


def reference(table, text_seqs):
    # The torch module pads ragged sequences with PAD=0 then performs an
    # embedding lookup. Here the sequences are already a dense [B, L] tensor,
    # so forward is a pure gather; padding_idx row is enforced to zero.
    tbl = table.at[PAD].set(0.0)
    s_input = jnp.take(tbl, text_seqs, axis=0)
    return s_input

if __name__ == "__main__":
    import jax
    _d = setup_inputs()
    print(jax.jit(kernel)(*tuple(_d.values())))

</pallas_src>

<mosaic_0001>
#map = affine_map<(d0, d1) -> (0, 0)>
#map1 = affine_map<(d0, d1) -> (0, 0, 0)>
module attributes {stable_mosaic.version = 14 : i64} {
  func.func @lookup(%arg0: i32, %arg1: i32, %arg2: memref<32x100000xf32, #tpu.memory_space<hbm>>, %arg3: memref<50x16384xi32, #tpu.memory_space<hbm>>, %arg4: memref<50x32x16384xf32, #tpu.memory_space<hbm>>, %arg5: memref<100000xf32, #tpu.memory_space<vmem>>, %arg6: memref<50x128xi32, #tpu.memory_space<vmem>>, %arg7: memref<50x128xi32, #tpu.memory_space<vmem>>, %arg8: memref<50x128xf32, #tpu.memory_space<vmem>>, %arg9: memref<50x128xf32, #tpu.memory_space<vmem>>, %arg10: memref<2x!tpu.dma_semaphore, #tpu.memory_space<semaphore_mem>>, %arg11: memref<2x!tpu.dma_semaphore, #tpu.memory_space<semaphore_mem>>) attributes {dimension_semantics = [#tpu.dimension_semantics<core_parallel>, #tpu.dimension_semantics<subcore_parallel>], iteration_bounds = array<i64: 2, 16>, scalar_prefetch = 0 : i64, scratch_operands = 7 : i64, tpu.core_type = #tpu.core_type<sc_vector_subcore>, window_params = [{transform_indices = #map}, {transform_indices = #map}, {transform_indices = #map1}]} {
    %mul3A = arith.constant 2 : i32
    %mul3A_0 = arith.muli %arg1, %mul3A : i32
    %add3A = arith.addi %mul3A_0, %arg0 : i32
    "tpu.region"() ({
      %run_scoped3A = tpu.sem_alloc : memref<!tpu.dma_semaphore, #tpu.memory_space<semaphore_mem>>
      %dma_start3A_35 = arith.constant 0 : i32
      %dma_start3A_36 = tpu.memref_slice %arg2[%add3A, %dma_start3A_35] : memref<32x100000xf32, #tpu.memory_space<hbm>> -> memref<1x100000xf32, #tpu.memory_space<hbm>>
      %dma_start3A_37 = tpu.memref_squeeze %dma_start3A_36 : memref<1x100000xf32, #tpu.memory_space<hbm>> -> memref<100000xf32, #tpu.memory_space<hbm>>
      %dma_start3A_38 = arith.constant 0 : i32
      %dma_start3A_39 = tpu.memref_slice %arg2[%add3A, %dma_start3A_38] : memref<32x100000xf32, #tpu.memory_space<hbm>> -> memref<1x100000xf32, #tpu.memory_space<hbm>>
      %dma_start3A_40 = tpu.memref_squeeze %dma_start3A_39 : memref<1x100000xf32, #tpu.memory_space<hbm>> -> memref<100000xf32, #tpu.memory_space<hbm>>
      tpu.enqueue_dma source(%dma_start3A_40 : memref<100000xf32, #tpu.memory_space<hbm>>) target(%arg5 : memref<100000xf32, #tpu.memory_space<vmem>>) target_semaphore(%run_scoped3A : memref<!tpu.dma_semaphore, #tpu.memory_space<semaphore_mem>>)
      %dma_wait3A_41 = arith.constant 0 : i32
      %dma_wait3A_42 = tpu.memref_slice %arg2[%add3A, %dma_wait3A_41] : memref<32x100000xf32, #tpu.memory_space<hbm>> -> memref<1x100000xf32, #tpu.memory_space<hbm>>
      %dma_wait3A_43 = tpu.memref_squeeze %dma_wait3A_42 : memref<1x100000xf32, #tpu.memory_space<hbm>> -> memref<100000xf32, #tpu.memory_space<hbm>>
      %dma_wait3A_44 = arith.constant 0 : i32
      %dma_wait3A_45 = tpu.memref_slice %arg2[%add3A, %dma_wait3A_44] : memref<32x100000xf32, #tpu.memory_space<hbm>> -> memref<1x100000xf32, #tpu.memory_space<hbm>>
      %dma_wait3A_46 = tpu.memref_squeeze %dma_wait3A_45 : memref<1x100000xf32, #tpu.memory_space<hbm>> -> memref<100000xf32, #tpu.memory_space<hbm>>
      tpu.wait_dma2 semaphore(%run_scoped3A : memref<!tpu.dma_semaphore, #tpu.memory_space<semaphore_mem>>) src(%dma_wait3A_46 : memref<100000xf32, #tpu.memory_space<hbm>>) dst(%arg5 : memref<100000xf32, #tpu.memory_space<vmem>>)
      tpu.yield
    }) : () -> ()
    %dma_start3A = arith.constant 0 : i32
    %dma_start3A_1 = arith.constant 0 : i32
    %dma_start3A_2 = arith.constant 0 : i32
    %dma_start3A_3 = tpu.memref_slice %arg3[%dma_start3A_1, %dma_start3A_2] : memref<50x16384xi32, #tpu.memory_space<hbm>> -> memref<50x128xi32, #tpu.memory_space<hbm>>
    %dma_start3A_4 = tpu.memref_slice %arg10[%dma_start3A] : memref<2x!tpu.dma_semaphore, #tpu.memory_space<semaphore_mem>> -> memref<1x!tpu.dma_semaphore, #tpu.memory_space<semaphore_mem>>
    %dma_start3A_5 = tpu.memref_squeeze %dma_start3A_4 : memref<1x!tpu.dma_semaphore, #tpu.memory_space<semaphore_mem>> -> memref<!tpu.dma_semaphore, #tpu.memory_space<semaphore_mem>>
    %dma_start3A_6 = arith.constant 0 : i32
    %dma_start3A_7 = arith.constant 0 : i32
    %dma_start3A_8 = tpu.memref_slice %arg3[%dma_start3A_6, %dma_start3A_7] : memref<50x16384xi32, #tpu.memory_space<hbm>> -> memref<50x128xi32, #tpu.memory_space<hbm>>
    tpu.enqueue_dma source(%dma_start3A_8 : memref<50x128xi32, #tpu.memory_space<hbm>>) target(%arg6 : memref<50x128xi32, #tpu.memory_space<vmem>>) target_semaphore(%dma_start3A_5 : memref<!tpu.dma_semaphore, #tpu.memory_space<semaphore_mem>>)
    %scan3A = arith.constant 0 : i32
    %scan3A_9 = arith.constant 0 : i32
    %scan3A_10 = arith.constant 64 : i32
    %scan3A_11 = arith.addi %scan3A_9, %scan3A_10 : i32
    %scan3A_12 = arith.constant 1 : i32
    scf.for %scan3A_35 = %scan3A_9 to %scan3A_11 step %scan3A_12  : i32 {
      %mul3A_36 = arith.constant 2 : i32
      %mul3A_37 = arith.muli %scan3A_35, %mul3A_36 : i32
      %add3A_38 = arith.constant 0 : i32
      %add3A_39 = arith.addi %mul3A_37, %add3A_38 : i32
      %dma_wait3A_40 = arith.constant 0 : i32
      %dma_wait3A_41 = arith.constant 0 : i32
      %dma_wait3A_42 = arith.constant 0 : i32
      %dma_wait3A_43 = tpu.memref_slice %arg3[%dma_wait3A_41, %dma_wait3A_42] : memref<50x16384xi32, #tpu.memory_space<hbm>> -> memref<50x128xi32, #tpu.memory_space<hbm>>
      %dma_wait3A_44 = tpu.memref_slice %arg10[%dma_wait3A_40] : memref<2x!tpu.dma_semaphore, #tpu.memory_space<semaphore_mem>> -> memref<1x!tpu.dma_semaphore, #tpu.memory_space<semaphore_mem>>
      %dma_wait3A_45 = tpu.memref_squeeze %dma_wait3A_44 : memref<1x!tpu.dma_semaphore, #tpu.memory_space<semaphore_mem>> -> memref<!tpu.dma_semaphore, #tpu.memory_space<semaphore_mem>>
      %dma_wait3A_46 = arith.constant 0 : i32
      %dma_wait3A_47 = arith.constant 0 : i32
      %dma_wait3A_48 = tpu.memref_slice %arg3[%dma_wait3A_46, %dma_wait3A_47] : memref<50x16384xi32, #tpu.memory_space<hbm>> -> memref<50x128xi32, #tpu.memory_space<hbm>>
      tpu.wait_dma2 semaphore(%dma_wait3A_45 : memref<!tpu.dma_semaphore, #tpu.memory_space<semaphore_mem>>) src(%dma_wait3A_48 : memref<50x128xi32, #tpu.memory_space<hbm>>) dst(%arg6 : memref<50x128xi32, #tpu.memory_space<vmem>>)
      %add3A_49 = arith.constant 1 : i32
      %add3A_50 = arith.addi %add3A_39, %add3A_49 : i32
      %le3A = arith.constant 127 : i32
      %le3A_51 = arith.cmpi sle, %add3A_50, %le3A : i32
      %convert_element_type3A = arith.extui %le3A_51 : i1 to i32
      %cond3A = arith.constant 0 : i32
      %cond3A_52 = arith.cmpi ne, %convert_element_type3A, %cond3A : i32
      scf.if %cond3A_52 {
        %add3A_109 = arith.constant 1 : i32
        %add3A_110 = arith.addi %add3A_39, %add3A_109 : i32
        %mul3A_111 = arith.constant 128 : i32
        %mul3A_112 = arith.muli %add3A_110, %mul3A_111 : i32
        %dma_start3A_113 = arith.constant 1 : i32
        %dma_start3A_114 = arith.constant 0 : i32
        %dma_start3A_115 = tpu.memref_slice %arg3[%dma_start3A_114, %mul3A_112] : memref<50x16384xi32, #tpu.memory_space<hbm>> -> memref<50x128xi32, #tpu.memory_space<hbm>>
        %dma_start3A_116 = tpu.memref_slice %arg10[%dma_start3A_113] : memref<2x!tpu.dma_semaphore, #tpu.memory_space<semaphore_mem>> -> memref<1x!tpu.dma_semaphore, #tpu.memory_space<semaphore_mem>>
        %dma_start3A_117 = tpu.memref_squeeze %dma_start3A_116 : memref<1x!tpu.dma_semaphore, #tpu.memory_space<semaphore_mem>> -> memref<!tpu.dma_semaphore, #tpu.memory_space<semaphore_mem>>
        %dma_start3A_118 = arith.constant 0 : i32
        %dma_start3A_119 = tpu.memref_slice %arg3[%dma_start3A_118, %mul3A_112] : memref<50x16384xi32, #tpu.memory_space<hbm>> -> memref<50x128xi32, #tpu.memory_space<hbm>>
        tpu.enqueue_dma source(%dma_start3A_119 : memref<50x128xi32, #tpu.memory_space<hbm>>) target(%arg7 : memref<50x128xi32, #tpu.memory_space<vmem>>) target_semaphore(%dma_start3A_117 : memref<!tpu.dma_semaphore, #tpu.memory_space<semaphore_mem>>)
      } else {
      }
      %ge3A = arith.constant 2 : i32
      %ge3A_53 = arith.cmpi sge, %add3A_39, %ge3A : i32
      %convert_element_type3A_54 = arith.extui %ge3A_53 : i1 to i32
      %cond3A_55 = arith.constant 0 : i32
      %cond3A_56 = arith.cmpi ne, %convert_element_type3A_54, %cond3A_55 : i32
      scf.if %cond3A_56 {
        %dma_wait3A_109 = arith.constant 0 : i32
        %dma_wait3A_110 = arith.constant 0 : i32
        %dma_wait3A_111 = arith.constant 0 : i32
        %dma_wait3A_112 = tpu.memref_slice %arg4[%dma_wait3A_110, %add3A, %dma_wait3A_111] : memref<50x32x16384xf32, #tpu.memory_space<hbm>> -> memref<50x1x128xf32, #tpu.memory_space<hbm>>
        %dma_wait3A_113 = tpu.memref_squeeze %dma_wait3A_112 : memref<50x1x128xf32, #tpu.memory_space<hbm>> -> memref<50x128xf32, #tpu.memory_space<hbm>>
        %dma_wait3A_114 = tpu.memref_slice %arg11[%dma_wait3A_109] : memref<2x!tpu.dma_semaphore, #tpu.memory_space<semaphore_mem>> -> memref<1x!tpu.dma_semaphore, #tpu.memory_space<semaphore_mem>>
        %dma_wait3A_115 = tpu.memref_squeeze %dma_wait3A_114 : memref<1x!tpu.dma_semaphore, #tpu.memory_space<semaphore_mem>> -> memref<!tpu.dma_semaphore, #tpu.memory_space<semaphore_mem>>
        %dma_wait3A_116 = arith.constant 0 : i32
        %dma_wait3A_117 = arith.constant 0 : i32
        %dma_wait3A_118 = tpu.memref_slice %arg4[%dma_wait3A_116, %add3A, %dma_wait3A_117] : memref<50x32x16384xf32, #tpu.memory_space<hbm>> -> memref<50x1x128xf32, #tpu.memory_space<hbm>>
        %dma_wait3A_119 = tpu.memref_squeeze %dma_wait3A_118 : memref<50x1x128xf32, #tpu.memory_space<hbm>> -> memref<50x128xf32, #tpu.memory_space<hbm>>
        tpu.wait_dma2 semaphore(%dma_wait3A_115 : memref<!tpu.dma_semaphore, #tpu.memory_space<semaphore_mem>>) src(%arg8 : memref<50x128xf32, #tpu.memory_space<vmem>>) dst(%dma_wait3A_119 : memref<50x128xf32, #tpu.memory_space<hbm>>)
      } else {
      }
      %parallel_loop3A = arith.constant 0 : i32
      %parallel_loop3A_57 = arith.constant 50 : i32
      %parallel_loop3A_58 = arith.constant 1 : i32
      scf.for %parallel_loop3A_109 = %parallel_loop3A to %parallel_loop3A_57 step %parallel_loop3A_58  : i32 {
        %parallel_loop3A_110 = arith.index_cast %parallel_loop3A_109 : i32 to index
        %parallel_loop3A_111 = arith.constant 0 : index
        %parallel_loop3A_112 = tpu.vector_load %arg6[%parallel_loop3A_110, %parallel_loop3A_111] {strides = array<i32>} : memref<50x128xi32, #tpu.memory_space<vmem>>, vector<16xi32>,
        %parallel_loop3A_113 = tpu.vector_load_idx %arg5[%parallel_loop3A_112] : memref<100000xf32, #tpu.memory_space<vmem>>[vector<16xi32>], vector<16xf32>,
        %parallel_loop3A_114 = arith.index_cast %parallel_loop3A_109 : i32 to index
        %parallel_loop3A_115 = arith.constant 0 : index
        %parallel_loop3A_116 = tpu.vector_load %arg8[%parallel_loop3A_114, %parallel_loop3A_115] {strides = array<i32>} : memref<50x128xf32, #tpu.memory_space<vmem>>, vector<16xf32>,
        tpu.vector_store %arg8[%parallel_loop3A_114, %parallel_loop3A_115], %parallel_loop3A_113 {strides = array<i32>} : memref<50x128xf32, #tpu.memory_space<vmem>>, vector<16xf32>,
        %parallel_loop3A_117 = arith.index_cast %parallel_loop3A_109 : i32 to index
        %parallel_loop3A_118 = arith.constant 16 : index
        %parallel_loop3A_119 = tpu.vector_load %arg6[%parallel_loop3A_117, %parallel_loop3A_118] {strides = array<i32>} : memref<50x128xi32, #tpu.memory_space<vmem>>, vector<16xi32>,
        %parallel_loop3A_120 = tpu.vector_load_idx %arg5[%parallel_loop3A_119] : memref<100000xf32, #tpu.memory_space<vmem>>[vector<16xi32>], vector<16xf32>,
        %parallel_loop3A_121 = arith.index_cast %parallel_loop3A_109 : i32 to index
        %parallel_loop3A_122 = arith.constant 16 : index
        %parallel_loop3A_123 = tpu.vector_load %arg8[%parallel_loop3A_121, %parallel_loop3A_122] {strides = array<i32>} : memref<50x128xf32, #tpu.memory_space<vmem>>, vector<16xf32>,
        tpu.vector_store %arg8[%parallel_loop3A_121, %parallel_loop3A_122], %parallel_loop3A_120 {strides = array<i32>} : memref<50x128xf32, #tpu.memory_space<vmem>>, vector<16xf32>,
        %parallel_loop3A_124 = arith.index_cast %parallel_loop3A_109 : i32 to index
        %parallel_loop3A_125 = arith.constant 32 : index
        %parallel_loop3A_126 = tpu.vector_load %arg6[%parallel_loop3A_124, %parallel_loop3A_125] {strides = array<i32>} : memref<50x128xi32, #tpu.memory_space<vmem>>, vector<16xi32>,
        %parallel_loop3A_127 = tpu.vector_load_idx %arg5[%parallel_loop3A_126] : memref<100000xf32, #tpu.memory_space<vmem>>[vector<16xi32>], vector<16xf32>,
        %parallel_loop3A_128 = arith.index_cast %parallel_loop3A_109 : i32 to index
        %parallel_loop3A_129 = arith.constant 32 : index
        %parallel_loop3A_130 = tpu.vector_load %arg8[%parallel_loop3A_128, %parallel_loop3A_129] {strides = array<i32>} : memref<50x128xf32, #tpu.memory_space<vmem>>, vector<16xf32>,
        tpu.vector_store %arg8[%parallel_loop3A_128, %parallel_loop3A_129], %parallel_loop3A_127 {strides = array<i32>} : memref<50x128xf32, #tpu.memory_space<vmem>>, vector<16xf32>,
        %parallel_loop3A_131 = arith.index_cast %parallel_loop3A_109 : i32 to index
        %parallel_loop3A_132 = arith.constant 48 : index
        %parallel_loop3A_133 = tpu.vector_load %arg6[%parallel_loop3A_131, %parallel_loop3A_132] {strides = array<i32>} : memref<50x128xi32, #tpu.memory_space<vmem>>, vector<16xi32>,
        %parallel_loop3A_134 = tpu.vector_load_idx %arg5[%parallel_loop3A_133] : memref<100000xf32, #tpu.memory_space<vmem>>[vector<16xi32>], vector<16xf32>,
        %parallel_loop3A_135 = arith.index_cast %parallel_loop3A_109 : i32 to index
        %parallel_loop3A_136 = arith.constant 48 : index
        %parallel_loop3A_137 = tpu.vector_load %arg8[%parallel_loop3A_135, %parallel_loop3A_136] {strides = array<i32>} : memref<50x128xf32, #tpu.memory_space<vmem>>, vector<16xf32>,
        tpu.vector_store %arg8[%parallel_loop3A_135, %parallel_loop3A_136], %parallel_loop3A_134 {strides = array<i32>} : memref<50x128xf32, #tpu.memory_space<vmem>>, vector<16xf32>,
        %parallel_loop3A_138 = arith.index_cast %parallel_loop3A_109 : i32 to index
        %parallel_loop3A_139 = arith.constant 64 : index
        %parallel_loop3A_140 = tpu.vector_load %arg6[%parallel_loop3A_138, %parallel_loop3A_139] {strides = array<i32>} : memref<50x128xi32, #tpu.memory_space<vmem>>, vector<16xi32>,
        %parallel_loop3A_141 = tpu.vector_load_idx %arg5[%parallel_loop3A_140] : memref<100000xf32, #tpu.memory_space<vmem>>[vector<16xi32>], vector<16xf32>,
        %parallel_loop3A_142 = arith.index_cast %parallel_loop3A_109 : i32 to index
        %parallel_loop3A_143 = arith.constant 64 : index
        %parallel_loop3A_144 = tpu.vector_load %arg8[%parallel_loop3A_142, %parallel_loop3A_143] {strides = array<i32>} : memref<50x128xf32, #tpu.memory_space<vmem>>, vector<16xf32>,
        tpu.vector_store %arg8[%parallel_loop3A_142, %parallel_loop3A_143], %parallel_loop3A_141 {strides = array<i32>} : memref<50x128xf32, #tpu.memory_space<vmem>>, vector<16xf32>,
        %parallel_loop3A_145 = arith.index_cast %parallel_loop3A_109 : i32 to index
        %parallel_loop3A_146 = arith.constant 80 : index
        %parallel_loop3A_147 = tpu.vector_load %arg6[%parallel_loop3A_145, %parallel_loop3A_146] {strides = array<i32>} : memref<50x128xi32, #tpu.memory_space<vmem>>, vector<16xi32>,
        %parallel_loop3A_148 = tpu.vector_load_idx %arg5[%parallel_loop3A_147] : memref<100000xf32, #tpu.memory_space<vmem>>[vector<16xi32>], vector<16xf32>,
        %parallel_loop3A_149 = arith.index_cast %parallel_loop3A_109 : i32 to index
        %parallel_loop3A_150 = arith.constant 80 : index
        %parallel_loop3A_151 = tpu.vector_load %arg8[%parallel_loop3A_149, %parallel_loop3A_150] {strides = array<i32>} : memref<50x128xf32, #tpu.memory_space<vmem>>, vector<16xf32>,
        tpu.vector_store %arg8[%parallel_loop3A_149, %parallel_loop3A_150], %parallel_loop3A_148 {strides = array<i32>} : memref<50x128xf32, #tpu.memory_space<vmem>>, vector<16xf32>,
        %parallel_loop3A_152 = arith.index_cast %parallel_loop3A_109 : i32 to index
        %parallel_loop3A_153 = arith.constant 96 : index
        %parallel_loop3A_154 = tpu.vector_load %arg6[%parallel_loop3A_152, %parallel_loop3A_153] {strides = array<i32>} : memref<50x128xi32, #tpu.memory_space<vmem>>, vector<16xi32>,
        %parallel_loop3A_155 = tpu.vector_load_idx %arg5[%parallel_loop3A_154] : memref<100000xf32, #tpu.memory_space<vmem>>[vector<16xi32>], vector<16xf32>,
        %parallel_loop3A_156 = arith.index_cast %parallel_loop3A_109 : i32 to index
        %parallel_loop3A_157 = arith.constant 96 : index
        %parallel_loop3A_158 = tpu.vector_load %arg8[%parallel_loop3A_156, %parallel_loop3A_157] {strides = array<i32>} : memref<50x128xf32, #tpu.memory_space<vmem>>, vector<16xf32>,
        tpu.vector_store %arg8[%parallel_loop3A_156, %parallel_loop3A_157], %parallel_loop3A_155 {strides = array<i32>} : memref<50x128xf32, #tpu.memory_space<vmem>>, vector<16xf32>,
        %parallel_loop3A_159 = arith.index_cast %parallel_loop3A_109 : i32 to index
        %parallel_loop3A_160 = arith.constant 112 : index
        %parallel_loop3A_161 = tpu.vector_load %arg6[%parallel_loop3A_159, %parallel_loop3A_160] {strides = array<i32>} : memref<50x128xi32, #tpu.memory_space<vmem>>, vector<16xi32>,
        %parallel_loop3A_162 = tpu.vector_load_idx %arg5[%parallel_loop3A_161] : memref<100000xf32, #tpu.memory_space<vmem>>[vector<16xi32>], vector<16xf32>,
        %parallel_loop3A_163 = arith.index_cast %parallel_loop3A_109 : i32 to index
        %parallel_loop3A_164 = arith.constant 112 : index
        %parallel_loop3A_165 = tpu.vector_load %arg8[%parallel_loop3A_163, %parallel_loop3A_164] {strides = array<i32>} : memref<50x128xf32, #tpu.memory_space<vmem>>, vector<16xf32>,
        tpu.vector_store %arg8[%parallel_loop3A_163, %parallel_loop3A_164], %parallel_loop3A_162 {strides = array<i32>} : memref<50x128xf32, #tpu.memory_space<vmem>>, vector<16xf32>,
      } {sc.loop_unroll_factor = 2 : i64, sc.parallel_access}
      %mul3A_59 = arith.constant 128 : i32
      %mul3A_60 = arith.muli %add3A_39, %mul3A_59 : i32
      %dma_start3A_61 = arith.constant 0 : i32
      %dma_start3A_62 = arith.constant 0 : i32
      %dma_start3A_63 = tpu.memref_slice %arg4[%dma_start3A_62, %add3A, %mul3A_60] : memref<50x32x16384xf32, #tpu.memory_space<hbm>> -> memref<50x1x128xf32, #tpu.memory_space<hbm>>
      %dma_start3A_64 = tpu.memref_squeeze %dma_start3A_63 : memref<50x1x128xf32, #tpu.memory_space<hbm>> -> memref<50x128xf32, #tpu.memory_space<hbm>>
      %dma_start3A_65 = tpu.memref_slice %arg11[%dma_start3A_61] : memref<2x!tpu.dma_semaphore, #tpu.memory_space<semaphore_mem>> -> memref<1x!tpu.dma_semaphore, #tpu.memory_space<semaphore_mem>>
      %dma_start3A_66 = tpu.memref_squeeze %dma_start3A_65 : memref<1x!tpu.dma_semaphore, #tpu.memory_space<semaphore_mem>> -> memref<!tpu.dma_semaphore, #tpu.memory_space<semaphore_mem>>
      %dma_start3A_67 = arith.constant 0 : i32
      %dma_start3A_68 = tpu.memref_slice %arg4[%dma_start3A_67, %add3A, %mul3A_60] : memref<50x32x16384xf32, #tpu.memory_space<hbm>> -> memref<50x1x128xf32, #tpu.memory_space<hbm>>
      %dma_start3A_69 = tpu.memref_squeeze %dma_start3A_68 : memref<50x1x128xf32, #tpu.memory_space<hbm>> -> memref<50x128xf32, #tpu.memory_space<hbm>>
      tpu.enqueue_dma source(%arg8 : memref<50x128xf32, #tpu.memory_space<vmem>>) target(%dma_start3A_69 : memref<50x128xf32, #tpu.memory_space<hbm>>) target_semaphore(%dma_start3A_66 : memref<!tpu.dma_semaphore, #tpu.memory_space<semaphore_mem>>)
      %mul3A_70 = arith.constant 2 : i32
      %mul3A_71 = arith.muli %scan3A_35, %mul3A_70 : i32
      %add3A_72 = arith.constant 1 : i32
      %add3A_73 = arith.addi %mul3A_71, %add3A_72 : i32
      %dma_wait3A_74 = arith.constant 1 : i32
      %dma_wait3A_75 = arith.constant 0 : i32
      %dma_wait3A_76 = arith.constant 0 : i32
      %dma_wait3A_77 = tpu.memref_slice %arg3[%dma_wait3A_75, %dma_wait3A_76] : memref<50x16384xi32, #tpu.memory_space<hbm>> -> memref<50x128xi32, #tpu.memory_space<hbm>>
      %dma_wait3A_78 = tpu.memref_slice %arg10[%dma_wait3A_74] : memref<2x!tpu.dma_semaphore, #tpu.memory_space<semaphore_mem>> -> memref<1x!tpu.dma_semaphore, #tpu.memory_space<semaphore_mem>>
      %dma_wait3A_79 = tpu.memref_squeeze %dma_wait3A_78 : memref<1x!tpu.dma_semaphore, #tpu.memory_space<semaphore_mem>> -> memref<!tpu.dma_semaphore, #tpu.memory_space<semaphore_mem>>
      %dma_wait3A_80 = arith.constant 0 : i32
      %dma_wait3A_81 = arith.constant 0 : i32
      %dma_wait3A_82 = tpu.memref_slice %arg3[%dma_wait3A_80, %dma_wait3A_81] : memref<50x16384xi32, #tpu.memory_space<hbm>> -> memref<50x128xi32, #tpu.memory_space<hbm>>
      tpu.wait_dma2 semaphore(%dma_wait3A_79 : memref<!tpu.dma_semaphore, #tpu.memory_space<semaphore_mem>>) src(%dma_wait3A_82 : memref<50x128xi32, #tpu.memory_space<hbm>>) dst(%arg7 : memref<50x128xi32, #tpu.memory_space<vmem>>)
      %add3A_83 = arith.constant 1 : i32
      %add3A_84 = arith.addi %add3A_73, %add3A_83 : i32
      %le3A_85 = arith.constant 127 : i32
      %le3A_86 = arith.cmpi sle, %add3A_84, %le3A_85 : i32
      %convert_element_type3A_87 = arith.extui %le3A_86 : i1 to i32
      %cond3A_88 = arith.constant 0 : i32
      %cond3A_89 = arith.cmpi ne, %convert_element_type3A_87, %cond3A_88 : i32
      scf.if %cond3A_89 {
        %add3A_109 = arith.constant 1 : i32
        %add3A_110 = arith.addi %add3A_73, %add3A_109 : i32
        %mul3A_111 = arith.constant 128 : i32
        %mul3A_112 = arith.muli %add3A_110, %mul3A_111 : i32
        %dma_start3A_113 = arith.constant 0 : i32
        %dma_start3A_114 = arith.constant 0 : i32
        %dma_start3A_115 = tpu.memref_slice %arg3[%dma_start3A_114, %mul3A_112] : memref<50x16384xi32, #tpu.memory_space<hbm>> -> memref<50x128xi32, #tpu.memory_space<hbm>>
        %dma_start3A_116 = tpu.memref_slice %arg10[%dma_start3A_113] : memref<2x!tpu.dma_semaphore, #tpu.memory_space<semaphore_mem>> -> memref<1x!tpu.dma_semaphore, #tpu.memory_space<semaphore_mem>>
        %dma_start3A_117 = tpu.memref_squeeze %dma_start3A_116 : memref<1x!tpu.dma_semaphore, #tpu.memory_space<semaphore_mem>> -> memref<!tpu.dma_semaphore, #tpu.memory_space<semaphore_mem>>
        %dma_start3A_118 = arith.constant 0 : i32
        %dma_start3A_119 = tpu.memref_slice %arg3[%dma_start3A_118, %mul3A_112] : memref<50x16384xi32, #tpu.memory_space<hbm>> -> memref<50x128xi32, #tpu.memory_space<hbm>>
        tpu.enqueue_dma source(%dma_start3A_119 : memref<50x128xi32, #tpu.memory_space<hbm>>) target(%arg6 : memref<50x128xi32, #tpu.memory_space<vmem>>) target_semaphore(%dma_start3A_117 : memref<!tpu.dma_semaphore, #tpu.memory_space<semaphore_mem>>)
      } else {
      }
      %ge3A_90 = arith.constant 2 : i32
      %ge3A_91 = arith.cmpi sge, %add3A_73, %ge3A_90 : i32
      %convert_element_type3A_92 = arith.extui %ge3A_91 : i1 to i32
      %cond3A_93 = arith.constant 0 : i32
      %cond3A_94 = arith.cmpi ne, %convert_element_type3A_92, %cond3A_93 : i32
      scf.if %cond3A_94 {
        %dma_wait3A_109 = arith.constant 1 : i32
        %dma_wait3A_110 = arith.constant 0 : i32
        %dma_wait3A_111 = arith.constant 0 : i32
        %dma_wait3A_112 = tpu.memref_slice %arg4[%dma_wait3A_110, %add3A, %dma_wait3A_111] : memref<50x32x16384xf32, #tpu.memory_space<hbm>> -> memref<50x1x128xf32, #tpu.memory_space<hbm>>
        %dma_wait3A_113 = tpu.memref_squeeze %dma_wait3A_112 : memref<50x1x128xf32, #tpu.memory_space<hbm>> -> memref<50x128xf32, #tpu.memory_space<hbm>>
        %dma_wait3A_114 = tpu.memref_slice %arg11[%dma_wait3A_109] : memref<2x!tpu.dma_semaphore, #tpu.memory_space<semaphore_mem>> -> memref<1x!tpu.dma_semaphore, #tpu.memory_space<semaphore_mem>>
        %dma_wait3A_115 = tpu.memref_squeeze %dma_wait3A_114 : memref<1x!tpu.dma_semaphore, #tpu.memory_space<semaphore_mem>> -> memref<!tpu.dma_semaphore, #tpu.memory_space<semaphore_mem>>
        %dma_wait3A_116 = arith.constant 0 : i32
        %dma_wait3A_117 = arith.constant 0 : i32
        %dma_wait3A_118 = tpu.memref_slice %arg4[%dma_wait3A_116, %add3A, %dma_wait3A_117] : memref<50x32x16384xf32, #tpu.memory_space<hbm>> -> memref<50x1x128xf32, #tpu.memory_space<hbm>>
        %dma_wait3A_119 = tpu.memref_squeeze %dma_wait3A_118 : memref<50x1x128xf32, #tpu.memory_space<hbm>> -> memref<50x128xf32, #tpu.memory_space<hbm>>
        tpu.wait_dma2 semaphore(%dma_wait3A_115 : memref<!tpu.dma_semaphore, #tpu.memory_space<semaphore_mem>>) src(%arg9 : memref<50x128xf32, #tpu.memory_space<vmem>>) dst(%dma_wait3A_119 : memref<50x128xf32, #tpu.memory_space<hbm>>)
      } else {
      }
      %parallel_loop3A_95 = arith.constant 0 : i32
      %parallel_loop3A_96 = arith.constant 50 : i32
      %parallel_loop3A_97 = arith.constant 1 : i32
      scf.for %parallel_loop3A_109 = %parallel_loop3A_95 to %parallel_loop3A_96 step %parallel_loop3A_97  : i32 {
        %parallel_loop3A_110 = arith.index_cast %parallel_loop3A_109 : i32 to index
        %parallel_loop3A_111 = arith.constant 0 : index
        %parallel_loop3A_112 = tpu.vector_load %arg7[%parallel_loop3A_110, %parallel_loop3A_111] {strides = array<i32>} : memref<50x128xi32, #tpu.memory_space<vmem>>, vector<16xi32>,
        %parallel_loop3A_113 = tpu.vector_load_idx %arg5[%parallel_loop3A_112] : memref<100000xf32, #tpu.memory_space<vmem>>[vector<16xi32>], vector<16xf32>,
        %parallel_loop3A_114 = arith.index_cast %parallel_loop3A_109 : i32 to index
        %parallel_loop3A_115 = arith.constant 0 : index
        %parallel_loop3A_116 = tpu.vector_load %arg9[%parallel_loop3A_114, %parallel_loop3A_115] {strides = array<i32>} : memref<50x128xf32, #tpu.memory_space<vmem>>, vector<16xf32>,
        tpu.vector_store %arg9[%parallel_loop3A_114, %parallel_loop3A_115], %parallel_loop3A_113 {strides = array<i32>} : memref<50x128xf32, #tpu.memory_space<vmem>>, vector<16xf32>,
        %parallel_loop3A_117 = arith.index_cast %parallel_loop3A_109 : i32 to index
        %parallel_loop3A_118 = arith.constant 16 : index
        %parallel_loop3A_119 = tpu.vector_load %arg7[%parallel_loop3A_117, %parallel_loop3A_118] {strides = array<i32>} : memref<50x128xi32, #tpu.memory_space<vmem>>, vector<16xi32>,
        %parallel_loop3A_120 = tpu.vector_load_idx %arg5[%parallel_loop3A_119] : memref<100000xf32, #tpu.memory_space<vmem>>[vector<16xi32>], vector<16xf32>,
        %parallel_loop3A_121 = arith.index_cast %parallel_loop3A_109 : i32 to index
        %parallel_loop3A_122 = arith.constant 16 : index
        %parallel_loop3A_123 = tpu.vector_load %arg9[%parallel_loop3A_121, %parallel_loop3A_122] {strides = array<i32>} : memref<50x128xf32, #tpu.memory_space<vmem>>, vector<16xf32>,
        tpu.vector_store %arg9[%parallel_loop3A_121, %parallel_loop3A_122], %parallel_loop3A_120 {strides = array<i32>} : memref<50x128xf32, #tpu.memory_space<vmem>>, vector<16xf32>,
        %parallel_loop3A_124 = arith.index_cast %parallel_loop3A_109 : i32 to index
        %parallel_loop3A_125 = arith.constant 32 : index
        %parallel_loop3A_126 = tpu.vector_load %arg7[%parallel_loop3A_124, %parallel_loop3A_125] {strides = array<i32>} : memref<50x128xi32, #tpu.memory_space<vmem>>, vector<16xi32>,
        %parallel_loop3A_127 = tpu.vector_load_idx %arg5[%parallel_loop3A_126] : memref<100000xf32, #tpu.memory_space<vmem>>[vector<16xi32>], vector<16xf32>,
        %parallel_loop3A_128 = arith.index_cast %parallel_loop3A_109 : i32 to index
        %parallel_loop3A_129 = arith.constant 32 : index
        %parallel_loop3A_130 = tpu.vector_load %arg9[%parallel_loop3A_128, %parallel_loop3A_129] {strides = array<i32>} : memref<50x128xf32, #tpu.memory_space<vmem>>, vector<16xf32>,
        tpu.vector_store %arg9[%parallel_loop3A_128, %parallel_loop3A_129], %parallel_loop3A_127 {strides = array<i32>} : memref<50x128xf32, #tpu.memory_space<vmem>>, vector<16xf32>,
        %parallel_loop3A_131 = arith.index_cast %parallel_loop3A_109 : i32 to index
        %parallel_loop3A_132 = arith.constant 48 : index
        %parallel_loop3A_133 = tpu.vector_load %arg7[%parallel_loop3A_131, %parallel_loop3A_132] {strides = array<i32>} : memref<50x128xi32, #tpu.memory_space<vmem>>, vector<16xi32>,
        %parallel_loop3A_134 = tpu.vector_load_idx %arg5[%parallel_loop3A_133] : memref<100000xf32, #tpu.memory_space<vmem>>[vector<16xi32>], vector<16xf32>,
        %parallel_loop3A_135 = arith.index_cast %parallel_loop3A_109 : i32 to index
        %parallel_loop3A_136 = arith.constant 48 : index
        %parallel_loop3A_137 = tpu.vector_load %arg9[%parallel_loop3A_135, %parallel_loop3A_136] {strides = array<i32>} : memref<50x128xf32, #tpu.memory_space<vmem>>, vector<16xf32>,
        tpu.vector_store %arg9[%parallel_loop3A_135, %parallel_loop3A_136], %parallel_loop3A_134 {strides = array<i32>} : memref<50x128xf32, #tpu.memory_space<vmem>>, vector<16xf32>,
        %parallel_loop3A_138 = arith.index_cast %parallel_loop3A_109 : i32 to index
        %parallel_loop3A_139 = arith.constant 64 : index
        %parallel_loop3A_140 = tpu.vector_load %arg7[%parallel_loop3A_138, %parallel_loop3A_139] {strides = array<i32>} : memref<50x128xi32, #tpu.memory_space<vmem>>, vector<16xi32>,
        %parallel_loop3A_141 = tpu.vector_load_idx %arg5[%parallel_loop3A_140] : memref<100000xf32, #tpu.memory_space<vmem>>[vector<16xi32>], vector<16xf32>,
        %parallel_loop3A_142 = arith.index_cast %parallel_loop3A_109 : i32 to index
        %parallel_loop3A_143 = arith.constant 64 : index
        %parallel_loop3A_144 = tpu.vector_load %arg9[%parallel_loop3A_142, %parallel_loop3A_143] {strides = array<i32>} : memref<50x128xf32, #tpu.memory_space<vmem>>, vector<16xf32>,
        tpu.vector_store %arg9[%parallel_loop3A_142, %parallel_loop3A_143], %parallel_loop3A_141 {strides = array<i32>} : memref<50x128xf32, #tpu.memory_space<vmem>>, vector<16xf32>,
        %parallel_loop3A_145 = arith.index_cast %parallel_loop3A_109 : i32 to index
        %parallel_loop3A_146 = arith.constant 80 : index
        %parallel_loop3A_147 = tpu.vector_load %arg7[%parallel_loop3A_145, %parallel_loop3A_146] {strides = array<i32>} : memref<50x128xi32, #tpu.memory_space<vmem>>, vector<16xi32>,
        %parallel_loop3A_148 = tpu.vector_load_idx %arg5[%parallel_loop3A_147] : memref<100000xf32, #tpu.memory_space<vmem>>[vector<16xi32>], vector<16xf32>,
        %parallel_loop3A_149 = arith.index_cast %parallel_loop3A_109 : i32 to index
        %parallel_loop3A_150 = arith.constant 80 : index
        %parallel_loop3A_151 = tpu.vector_load %arg9[%parallel_loop3A_149, %parallel_loop3A_150] {strides = array<i32>} : memref<50x128xf32, #tpu.memory_space<vmem>>, vector<16xf32>,
        tpu.vector_store %arg9[%parallel_loop3A_149, %parallel_loop3A_150], %parallel_loop3A_148 {strides = array<i32>} : memref<50x128xf32, #tpu.memory_space<vmem>>, vector<16xf32>,
        %parallel_loop3A_152 = arith.index_cast %parallel_loop3A_109 : i32 to index
        %parallel_loop3A_153 = arith.constant 96 : index
        %parallel_loop3A_154 = tpu.vector_load %arg7[%parallel_loop3A_152, %parallel_loop3A_153] {strides = array<i32>} : memref<50x128xi32, #tpu.memory_space<vmem>>, vector<16xi32>,
        %parallel_loop3A_155 = tpu.vector_load_idx %arg5[%parallel_loop3A_154] : memref<100000xf32, #tpu.memory_space<vmem>>[vector<16xi32>], vector<16xf32>,
        %parallel_loop3A_156 = arith.index_cast %parallel_loop3A_109 : i32 to index
        %parallel_loop3A_157 = arith.constant 96 : index
        %parallel_loop3A_158 = tpu.vector_load %arg9[%parallel_loop3A_156, %parallel_loop3A_157] {strides = array<i32>} : memref<50x128xf32, #tpu.memory_space<vmem>>, vector<16xf32>,
        tpu.vector_store %arg9[%parallel_loop3A_156, %parallel_loop3A_157], %parallel_loop3A_155 {strides = array<i32>} : memref<50x128xf32, #tpu.memory_space<vmem>>, vector<16xf32>,
        %parallel_loop3A_159 = arith.index_cast %parallel_loop3A_109 : i32 to index
        %parallel_loop3A_160 = arith.constant 112 : index
        %parallel_loop3A_161 = tpu.vector_load %arg7[%parallel_loop3A_159, %parallel_loop3A_160] {strides = array<i32>} : memref<50x128xi32, #tpu.memory_space<vmem>>, vector<16xi32>,
        %parallel_loop3A_162 = tpu.vector_load_idx %arg5[%parallel_loop3A_161] : memref<100000xf32, #tpu.memory_space<vmem>>[vector<16xi32>], vector<16xf32>,
        %parallel_loop3A_163 = arith.index_cast %parallel_loop3A_109 : i32 to index
        %parallel_loop3A_164 = arith.constant 112 : index
        %parallel_loop3A_165 = tpu.vector_load %arg9[%parallel_loop3A_163, %parallel_loop3A_164] {strides = array<i32>} : memref<50x128xf32, #tpu.memory_space<vmem>>, vector<16xf32>,
        tpu.vector_store %arg9[%parallel_loop3A_163, %parallel_loop3A_164], %parallel_loop3A_162 {strides = array<i32>} : memref<50x128xf32, #tpu.memory_space<vmem>>, vector<16xf32>,
      } {sc.loop_unroll_factor = 2 : i64, sc.parallel_access}
      %mul3A_98 = arith.constant 128 : i32
      %mul3A_99 = arith.muli %add3A_73, %mul3A_98 : i32
      %dma_start3A_100 = arith.constant 1 : i32
      %dma_start3A_101 = arith.constant 0 : i32
      %dma_start3A_102 = tpu.memref_slice %arg4[%dma_start3A_101, %add3A, %mul3A_99] : memref<50x32x16384xf32, #tpu.memory_space<hbm>> -> memref<50x1x128xf32, #tpu.memory_space<hbm>>
      %dma_start3A_103 = tpu.memref_squeeze %dma_start3A_102 : memref<50x1x128xf32, #tpu.memory_space<hbm>> -> memref<50x128xf32, #tpu.memory_space<hbm>>
      %dma_start3A_104 = tpu.memref_slice %arg11[%dma_start3A_100] : memref<2x!tpu.dma_semaphore, #tpu.memory_space<semaphore_mem>> -> memref<1x!tpu.dma_semaphore, #tpu.memory_space<semaphore_mem>>
      %dma_start3A_105 = tpu.memref_squeeze %dma_start3A_104 : memref<1x!tpu.dma_semaphore, #tpu.memory_space<semaphore_mem>> -> memref<!tpu.dma_semaphore, #tpu.memory_space<semaphore_mem>>
      %dma_start3A_106 = arith.constant 0 : i32
      %dma_start3A_107 = tpu.memref_slice %arg4[%dma_start3A_106, %add3A, %mul3A_99] : memref<50x32x16384xf32, #tpu.memory_space<hbm>> -> memref<50x1x128xf32, #tpu.memory_space<hbm>>
      %dma_start3A_108 = tpu.memref_squeeze %dma_start3A_107 : memref<50x1x128xf32, #tpu.memory_space<hbm>> -> memref<50x128xf32, #tpu.memory_space<hbm>>
      tpu.enqueue_dma source(%arg9 : memref<50x128xf32, #tpu.memory_space<vmem>>) target(%dma_start3A_108 : memref<50x128xf32, #tpu.memory_space<hbm>>) target_semaphore(%dma_start3A_105 : memref<!tpu.dma_semaphore, #tpu.memory_space<semaphore_mem>>)
    }
    %scan3A_13 = arith.constant 64 : i32
    %dma_wait3A = arith.constant 0 : i32
    %dma_wait3A_14 = arith.constant 0 : i32
    %dma_wait3A_15 = arith.constant 0 : i32
    %dma_wait3A_16 = tpu.memref_slice %arg4[%dma_wait3A_14, %add3A, %dma_wait3A_15] : memref<50x32x16384xf32, #tpu.memory_space<hbm>> -> memref<50x1x128xf32, #tpu.memory_space<hbm>>
    %dma_wait3A_17 = tpu.memref_squeeze %dma_wait3A_16 : memref<50x1x128xf32, #tpu.memory_space<hbm>> -> memref<50x128xf32, #tpu.memory_space<hbm>>
    %dma_wait3A_18 = tpu.memref_slice %arg11[%dma_wait3A] : memref<2x!tpu.dma_semaphore, #tpu.memory_space<semaphore_mem>> -> memref<1x!tpu.dma_semaphore, #tpu.memory_space<semaphore_mem>>
    %dma_wait3A_19 = tpu.memref_squeeze %dma_wait3A_18 : memref<1x!tpu.dma_semaphore, #tpu.memory_space<semaphore_mem>> -> memref<!tpu.dma_semaphore, #tpu.memory_space<semaphore_mem>>
    %dma_wait3A_20 = arith.constant 0 : i32
    %dma_wait3A_21 = arith.constant 0 : i32
    %dma_wait3A_22 = tpu.memref_slice %arg4[%dma_wait3A_20, %add3A, %dma_wait3A_21] : memref<50x32x16384xf32, #tpu.memory_space<hbm>> -> memref<50x1x128xf32, #tpu.memory_space<hbm>>
    %dma_wait3A_23 = tpu.memref_squeeze %dma_wait3A_22 : memref<50x1x128xf32, #tpu.memory_space<hbm>> -> memref<50x128xf32, #tpu.memory_space<hbm>>
    tpu.wait_dma2 semaphore(%dma_wait3A_19 : memref<!tpu.dma_semaphore, #tpu.memory_space<semaphore_mem>>) src(%arg8 : memref<50x128xf32, #tpu.memory_space<vmem>>) dst(%dma_wait3A_23 : memref<50x128xf32, #tpu.memory_space<hbm>>)
    %dma_wait3A_24 = arith.constant 1 : i32
    %dma_wait3A_25 = arith.constant 0 : i32
    %dma_wait3A_26 = arith.constant 0 : i32
    %dma_wait3A_27 = tpu.memref_slice %arg4[%dma_wait3A_25, %add3A, %dma_wait3A_26] : memref<50x32x16384xf32, #tpu.memory_space<hbm>> -> memref<50x1x128xf32, #tpu.memory_space<hbm>>
    %dma_wait3A_28 = tpu.memref_squeeze %dma_wait3A_27 : memref<50x1x128xf32, #tpu.memory_space<hbm>> -> memref<50x128xf32, #tpu.memory_space<hbm>>
    %dma_wait3A_29 = tpu.memref_slice %arg11[%dma_wait3A_24] : memref<2x!tpu.dma_semaphore, #tpu.memory_space<semaphore_mem>> -> memref<1x!tpu.dma_semaphore, #tpu.memory_space<semaphore_mem>>
    %dma_wait3A_30 = tpu.memref_squeeze %dma_wait3A_29 : memref<1x!tpu.dma_semaphore, #tpu.memory_space<semaphore_mem>> -> memref<!tpu.dma_semaphore, #tpu.memory_space<semaphore_mem>>
    %dma_wait3A_31 = arith.constant 0 : i32
    %dma_wait3A_32 = arith.constant 0 : i32
    %dma_wait3A_33 = tpu.memref_slice %arg4[%dma_wait3A_31, %add3A, %dma_wait3A_32] : memref<50x32x16384xf32, #tpu.memory_space<hbm>> -> memref<50x1x128xf32, #tpu.memory_space<hbm>>
    %dma_wait3A_34 = tpu.memref_squeeze %dma_wait3A_33 : memref<50x1x128xf32, #tpu.memory_space<hbm>> -> memref<50x128xf32, #tpu.memory_space<hbm>>
    tpu.wait_dma2 semaphore(%dma_wait3A_30 : memref<!tpu.dma_semaphore, #tpu.memory_space<semaphore_mem>>) src(%arg9 : memref<50x128xf32, #tpu.memory_space<vmem>>) dst(%dma_wait3A_34 : memref<50x128xf32, #tpu.memory_space<hbm>>)
    return
  }
}

</mosaic_0001>

<sc_bundles>
// kernel: kernel.3.cloned.1.call-start
scs
__scs_entry_jumppad:
0x0: {  	(pc) =	sbr.rel $0x88, $3  }
0x1: {  	(tag) =	ssettag $0x0;
	lr =	simm.s32 $0x1  }
0x2: {  	[smem:$0x3F9F] =	sst lr;
	_ =	strace $0xD0000000  }
0x3: {  	_ = 	snop  }
0x4: {  	_ = 	snop  }
0x5: {  	_ = 	snop  }
0x6: {  	_ = 	snop  }
0x7: {  	_ = 	snop  }
__scs_overlays_trampoline_lowered:
0x8: {  	[smem:$0x3FAE] =	sst s0  }
0x9: {  	[smem:$0x3FAF] =	sst s1  }
0xa: {  	[smem:$0x3FB0] =	sst s2  }
0xb: {  	[smem:$0x3FB1] =	sst s3  }
0xc: {  	[smem:$0x3FB2] =	sst s4  }
0xd: {  	[smem:$0x3FB3] =	sst s5  }
0xe: {  	[smem:$0x3FB4] =	sst s6  }
0xf: {  	[smem:$0x3FB5] =	sst s7  }
0x10: {  	[smem:$0x3FB6] =	sst s8  }
0x11: {  	[smem:$0x3FB7] =	sst s9;
	s0 =	simm.s32 @!p0 $0x0  }
0x12: {  	s1 =	sld [smem:$0x3F9D];
	s0 =	simm.s32 @p0 $0x1  }
0x13: {  	[smem:$0x3FB8] =	sst s0;
	s0 =	simm.s32 @!p1 $0x0  }
0x14: {  	s2 =	sld [smem:$0x3F9C];
	s0 =	simm.s32 @p1 $0x1  }
0x15: {  	[smem:$0x3FB9] =	sst s0;
	s0 =	simm.s32 @!p2 $0x0  }
0x16: {  	s3 =	sld [smem:$0x3FDB];
	s0 =	simm.s32 @p2 $0x1  }
0x17: {  	s4 =	simm.s32 $0x1BF5;
	[smem:$0x3FBB] =	sst s0  }
0x18: {  	s0 =	sld [smem:$0x3F9E];
	_ =	swait.ge [sflag:s4], $0x0  }
0x19: {  	s7 =	sld [smem:$0x3F9F]  }
0x1a: {  	s8 =	sadd.s32 $0xFFFFE003, lr  }
0x1b: {  	s9 =	sadd.s32 $0xFFFFFEF7, lr;
	s5 =	simm.s32 $0xFFFFFFFF;
	p2 =	slt.u32 s8, $0xFFFFF086  }
0x1c: {  	p1 =	slt.u32 s9, $0xF7A;
	s5 =	simm.s32 @!p2 $0x0  }
0x1d: {  	s5 =	simm.s32 @p1 $0x1;
	p0 =	seq.s32 s7, s2  }
0x1e: {  	s7 =	smul.u32 @!p0 $0xF7A, s2;
	p2 =	seq.s32 @!p0 s5, $0x0  }
0x1f: {  	s9 =	smul.u32 $0xF7A, s1;
	s8 =	simm.s32 @!p0 $0x1BF5;
	p2 =	por !p2, p0  }
0x20: {  	[sflag:s8] =	ssyncset.s32 @!p0 $0xFFFFF086;
	s6 =	sadd.s32 @!p0 s3, s7;
	s7 =	simm.s32 @!p0 $0x108  }
0x21: {  	s3 =	sadd.s32 s3, s9;
	s6 =	sadd.s32 @!p0 $0x88, s6;
	s7 =	simm.s32 @p2 $0x1082  }
0x22: {  	[simem:s7], [sflag:s8] =	dma.local @!p0 [hbm:s6], $0xF7A  }
0x23: {  	s9 =	sor.u32 $0xD0000000, s2;
	s6 =	simm.s32 $0x108;
	_ =	swait.ge @!p0 [sflag:s8], $0x0  }
0x24: {  	s3 =	sadd.s32 $0x88, s3;
	s6 =	simm.s32 @!p1 $0x1082;
	[sflag:s4] =	ssyncset.s32 $0xFFFFF086  }
0x25: {  	[simem:s6], [sflag:s4] =	dma.local [hbm:s3], $0xF7A  }
0x26: {  	[smem:$0x3F9F] =	sst s1;
	(tag) =	ssettag s2;
	_ =	strace s9  }
0x27: {  	s1 =	sld [smem:$0x3FAF]  }
0x28: {  	s2 =	sld [smem:$0x3FB0]  }
0x29: {  	s4 =	sld [smem:$0x3FB2]  }
0x2a: {  	p0 =	seq.s32 s5, $0x0;
	s5 =	sld [smem:$0x3FB3]  }
0x2b: {  	s6 =	sld [smem:$0x3FB4]  }
0x2c: {  	s7 =	sld [smem:$0x3FB5]  }
0x2d: {  	s3 =	simm.s32 $0x108;
	s8 =	sld [smem:$0x3FB6]  }
0x2e: {  	s3 =	simm.s32 @!p0 $0x1082;
	s9 =	sld [smem:$0x3FB7]  }
0x2f: {  	lr =	sadd.s32 s0, s3;
	s0 =	sld [smem:$0x3FAE]  }
0x30: {  	s3 =	sld [smem:$0x3FB1]  }
0x31: {  	[smem:$0x3FBA] =	sst s10  }
0x32: {  	s10 =	sld [smem:$0x3FB8];
	_ =	sdelay $0x3  }
0x33: {  	p0 =	seq.s32 s10, $0x1;
	s10 =	sld [smem:$0x3FBA];
	_ =	sdelay $0x3  }
0x34: {  	[smem:$0x3FBA] =	sst s10  }
0x35: {  	s10 =	sld [smem:$0x3FB9];
	_ =	sdelay $0x3  }
0x36: {  	p1 =	seq.s32 s10, $0x1;
	s10 =	sld [smem:$0x3FBA];
	_ =	sdelay $0x3  }
0x37: {  	[smem:$0x3FBA] =	sst s10  }
0x38: {  	s10 =	sld [smem:$0x3FBB]  }
0x39: {  	_ = 	snop;
	(pc) =	sbr.ind lr, $3  }
0x3a: {  	_ = 	snop  }
0x3b: {  	_ = 	snop  }
0x3c: {  	p2 =	seq.s32 s10, $0x1;
	s10 =	sld [smem:$0x3FBA]  }
0x3d: {  	_ =	shalt  }
0x3e: {  	_ =	shalt  }
0x3f: {  	_ =	shalt  }
0x40: {  	_ =	shalt  }
0x41: {  	_ =	shalt  }
0x42: {  	_ =	shalt  }
0x43: {  	_ =	shalt  }
0x44: {  	_ =	shalt  }
0x45: {  	_ =	shalt  }
0x46: {  	_ =	shalt  }
0x47: {  	_ =	shalt  }
0x48: {  	_ =	shalt  }
0x49: {  	_ =	shalt  }
0x4a: {  	_ =	shalt  }
0x4b: {  	_ =	shalt  }
0x4c: {  	_ =	shalt  }
0x4d: {  	_ =	shalt  }
0x4e: {  	_ =	shalt  }
0x4f: {  	_ =	shalt  }
0x50: {  	_ =	shalt  }
0x51: {  	_ =	shalt  }
0x52: {  	_ =	shalt  }
0x53: {  	_ =	shalt  }
0x54: {  	_ =	shalt  }
0x55: {  	_ =	shalt  }
0x56: {  	_ =	shalt  }
0x57: {  	_ =	shalt  }
0x58: {  	_ =	shalt  }
0x59: {  	_ =	shalt  }
0x5a: {  	_ =	shalt  }
0x5b: {  	_ =	shalt  }
0x5c: {  	_ =	shalt  }
0x5d: {  	_ =	shalt  }
0x5e: {  	_ =	shalt  }
0x5f: {  	_ =	shalt  }
0x60: {  	_ =	shalt  }
0x61: {  	_ =	shalt  }
0x62: {  	_ =	shalt  }
0x63: {  	_ =	shalt  }
0x64: {  	_ =	shalt  }
0x65: {  	_ =	shalt  }
0x66: {  	_ =	shalt  }
0x67: {  	_ =	shalt  }
0x68: {  	_ =	shalt  }
0x69: {  	_ =	shalt  }
0x6a: {  	_ =	shalt  }
0x6b: {  	_ =	shalt  }
0x6c: {  	_ =	shalt  }
0x6d: {  	_ =	shalt  }
0x6e: {  	_ =	shalt  }
0x6f: {  	_ =	shalt  }
0x70: {  	_ =	shalt  }
0x71: {  	_ =	shalt  }
0x72: {  	_ =	shalt  }
0x73: {  	_ =	shalt  }
0x74: {  	_ =	shalt  }
0x75: {  	_ =	shalt  }
0x76: {  	_ =	shalt  }
0x77: {  	_ =	shalt  }
0x78: {  	_ =	shalt  }
0x79: {  	_ =	shalt  }
0x7a: {  	_ =	shalt  }
0x7b: {  	_ =	shalt  }
0x7c: {  	_ =	shalt  }
0x7d: {  	_ =	shalt  }
0x7e: {  	_ =	shalt  }
0x7f: {  	_ =	shalt  }
0x80: {  	_ =	shalt  }
0x81: {  	_ =	shalt  }
0x82: {  	_ =	shalt  }
0x83: {  	_ =	shalt  }
0x84: {  	_ =	shalt  }
0x85: {  	_ =	shalt  }
0x86: {  	_ =	shalt  }
0x87: {  	_ =	shalt  }
.Lfunc_end0:
.L_simem_size_0:
called_computation_lowered:
.L_overlay_start_0:
0x88: {  	s2 =	sld [smem:$0x3FD9]  }
0x89: {  	s3 =	sld [smem:$0x3FFE];
	_ =	sdelay $0x1  }
0x8a: {  	s1 =	srdreg.scid  }
0x8b: {  	s0 =	sand.u32 $0x1, s1  }
0x8c: {  	s18 =	sshll.u32 s0, $0xA;
	s2 =	sadd.s32 s3, s2  }
0x8d: {  	s2 =	sadd.s32 s2, s18  }
0x8e: {  	[smem:$0x3FC6] =	sst s2  }
0x8f: {  	_ = 	snop  }
0x90: {  	s2 =	sld [smem:$0x3FC9]  }
0x91: {  	s19 =	sld [smem:$0x3FC8]  }
0x92: {  	s4 =	sld [smem:$0x3FD0];
	(tm) =	ssettm $0x1  }
0x93: {  	s5 =	sld [smem:$0x3FFB];
	_ =	sdelay $0x3  }
0x94: {  	_ =	strace s5  }
0x95: {  	s5 =	sld [smem:$0x3FFC];
	_ =	sdelay $0x3  }
0x96: {  	_ =	strace s5  }
0x97: {  	s5 =	sld [smem:$0x3FFD];
	_ =	sdelay $0x3  }
0x98: {  	_ =	strace s5  }
0x99: {  	_ =	strace $0x8FFFFFFF  }
0x9a: {  	s20 =	sld [smem:$0x3FDB];
	_ =	sdelay $0x1  }
0x9b: {  	s6 =	simm.s32 $_scs_section_size  }
0x9c: {  	s7 =	simm.s32 $_size__tile_overlayer_lowered;
	s8 =	simm.s32 $_tile_overlayer_lowered  }
0x9d: {  	s23 =	simm.s32 $0x1BFF;
	s22 =	sshll.u32 s8, $0x1;
	s5 =	sadd.s32 s6, s20  }
0x9e: {  	s9 =	simm.s32 $0x0;
	s21 =	sshll.u32 s7, $0x1;
	s7 =	sadd.s32 s22, s5  }
0x9f: {  	[timem:s9], [sflag:s23] =	dma.local [hbm:s7], s21  }
0xa0: {  	_ =	swait.ge [sflag:s23], s21  }
0xa1: {  	s6 =	ssub.s32 $0x0, s21;
	[sflag:s23] =	ssyncset.done $0x0  }
0xa2: {  	[sflag:s23] =	ssyncadd.s32 s6;
	_ =	sdelay $0x1  }
0xa3: {  	s24 =	simm.s32 $0x1B8B  }
0xa4: {  	_ =	swait.ge [sflag:s24], $0x1  }
0xa5: {  	[sflag:s24] =	ssyncset.done $0x0  }
0xa6: {  	s25 =	simm.s32 $0x1B8E;
	[sflag:s24] =	ssyncadd.s32 $0xFFFFFFFF  }
0xa7: {  	s26 =	simm.s32 $execute0_lowered;
	[smem:$0x3FD2] =	sst s25  }
0xa8: {  	s6 =	sshll.u32 s26, $0x1;
	_ =	strace $0x80000046;
	[dreg:$0x1] =	wrdreg $0xFFFFFFFF  }
0xa9: {  	s28 =	simm.s32 $_size_execute0_lowered;
	s5 =	sadd.s32 s5, s6;
	[dreg:$0x0] =	wrdreg $0x0  }
0xaa: {  	s6 =	sshll.u32 s28, $0x1;
	[dreg:$0x2] =	wrdreg s5  }
0xab: {  	[dreg:$0x3] =	wrdreg s6  }
0xac: {  	[dreg:$0x4] =	wrdreg $0xC0  }
0xad: {  	_ =	task [dreg:s9], $0x5FFFF  }
0xae: {  	[dreg:$0x1] =	wrdreg $0xFFFFFFFF  }
0xaf: {  	[dreg:$0x0] =	wrdreg $0x60  }
0xb0: {  	[dreg:$0x2] =	wrdreg s2  }
0xb1: {  	[dreg:$0x3] =	wrdreg s19  }
0xb2: {  	[dreg:$0x4] =	wrdreg s4  }
0xb3: {  	[dreg:$0x5] =	wrdreg $0x9  }
0xb4: {  	_ =	task.clear_ibuf [dreg:s9], $0x6FFFF;
	_ =	strace $0x90000046  }
0xb5: {  	s29 =	simm.s32 $0x9;
	_ =	strace $0x80000048  }
0xb6: {  	_ =	swait.ge [sflag:s29], $0x1  }
0xb7: {  	[sflag:s29] =	ssyncadd.s32 $0xFFFFFFFF  }
0xb8: {  	_ =	strace $0x90000048  }
0xb9: {  	_ =	sfence  }
0xba: {  	s30 =	sld [smem:$0x0];
	_ =	sdelay $0x2  }
0xbb: {  	s31 =	sshll.u32 s1, $0xD;
	s1 =	sshrl.u32 s1, $0x2  }
0xbc: {  	s3 =	sand.u32 $0x4000, s31;
	s1 =	sadd.s32 s1, s30  }
0xbd: {  	s0 =	sor.u32 s3, s0;
	s1 =	sshll.u32 s1, $0x11  }
0xbe: {  	s0 =	sor.u32 s1, s0  }
0xbf: {  	s0 =	sadd.s32 $0x8F2B, s0  }
0xc0: {  	[sflag:s0] =	ssyncadd.remote.s32 $0x1  }
0xc1: {  	_ =	sfence.sel $0xFFFF  }
0xc2: {  	[dreg:$0x0] =	wrdreg $0xFFFFFFFF;
	(pc) =	sbr.abs _section_cstart, $3  }
0xc3: {  	[dreg:$0x1] =	wrdreg $0xFFFFFFFF  }
0xc4: {  	_ =	task.clear_ibuf [dreg:s9], $0x2FFFF;
	_ =	strace $0x9FFFFFFF  }
0xc5: {  	(tm) =	ssettm $0x7FFFFFFF  }
tec
execute0_lowered:
.L_overlay_start_1:
0x0: {  	(tag) =	ssettag $0x1  }
0x1: {  	s0 =	rddreg [dreg:$0x0]  }
0x2: {  	s1 =	rddreg [dreg:$0x1]  }
0x3: {  	s3 =	rddreg [dreg:$0x2];
	s4 =	simm.s32 $0x0  }
0x4: {  	s2 =	srdreg.scid;
	s6 =	stileid.u32;
	s10 =	simm.s32 $0x80  }
0x5: {  	s11 =	simm.s32 $0x400;
	s12 =	simm.s32 $0x5;
	s13 =	simm.s32 $0x20000  }
0x6: {  	s16 =	simm.s32 $0x1;
	s17 =	simm.s32 $0x1A300;
	s18 =	simm.s32 $0x1BB00  }
0x7: {  	s19 =	simm.s32 $0x80000;
	s20 =	simm.s32 $0x1BF00;
	s21 =	simm.s32 $0x2  }
0x8: {  	s22 =	simm.s32 $0x1DB00;
	s23 =	simm.s32 $0x3;
	s24 =	simm.s32 $0x4  }
0x9: {  	s25 =	simm.s32 $0x0;
	s2 =	sand.u32 $0x1, s2;
	s5 =	sshrl.u32 s6, $0x2  }
0xa: {  	s6 =	sshll.u32 s6, $0x8;
	[smem:$0x7FF] =	sst s4;
	s7 =	sshll.u32 s2, $0x7  }
0xb: {  	s6 =	sand.u32 $0x300, s6;
	s8 =	smul.u32 $0xC3800, s5;
	s2 =	ssub.s32 $0x2, s2  }
0xc: {  	s30 =	sadd.s32 $0x18000, s1;
	s6 =	sor.u32 s7, s6;
	s28 =	sshrl.u32 s2, $0x1  }
0xd: {  	_ =	strace $0x80000047;
	s8 =	sor.u32 s8, s6;
	s2 =	ssub.s32 s2, s28  }
0xe: {  	[dreg:$0x5] =	wrdreg s30;
	s29 =	sshrl.u32 s8, $0x3;
	s31 =	smax.u32 s2, $0x1  }
0xf: {  	s5 =	sshll.u32 s5, $0x11;
	s0 =	sadd.s32 s0, s29;
	[dreg:$0x6] =	wrdreg s31  }
0x10: {  	s7 =	sor.u32 s6, s5;
	s8 =	sadd.s32 $0x100, s1;
	[dreg:$0x4] =	wrdreg s0  }
.LBB2_1:
0x11: {  	s0 =	rddreg [dreg:$0x4]  }
0x12: {  	[tilespmem:s4], [sflag:$0x5] =	stream.strided.gather [hbm4b:s0+s10], $0x18700, s11, s10, $0x38;
	[tilespmem:$0x1F700] =	vst v63  }
0x13: {  	_ =	swait.ge [sflag:s12], $0x18700  }
0x14: {  	[sflag:s12] =	ssyncset.done $0x0  }
0x15: {  	s30 =	simm.s32 $0x18700;
	[sflag:s12] =	ssyncadd.s32 $0xFFFE7900  }
0x16: {  	[tilespmem:s30], [sflag:$0x1] =	stream.strided.gather [hbm4b:s1+s11], $0x1800, s13, s11, $0x38;
	[tilespmem:$0x1F700] =	vst v63  }
0x17: {  	s2 =	simm.s32 $0x19F00;
	s26 =	simm.s32 $0x0;
	s31 =	rddreg [dreg:$0x5]  }
0x18: {  	[tilespmem:s2], [sflag:$0x1] =	stream.linear.gather [hbm4b:s31+s4], $0x100, $0x38;
	[tilespmem:$0x1F700] =	vst v63  }
.LBB2_2:
0x19: {  	_ =	swait.ge [sflag:s16], $0x1900;
	s28 =	sshllo.u32 s26, $0x1  }
0x1a: {  	[sflag:s16] =	ssyncset.done $0x0;
	s0 =	sshll.u32 s28, $0x7  }
0x1b: {  	[sflag:s16] =	ssyncadd.s32 $0xFFFFE700;
	s0 =	sadd.s32 s1, s0  }
0x1c: {  	[tilespmem:s17], [sflag:$0x2] =	stream.strided.gather [hbm4b:s0+s11], $0x1800, s13, s11, $0x38;
	[tilespmem:$0x1F700] =	vst v63  }
0x1d: {  	p0 =	seq.s32 s26, $0x0;
	s0 =	sadd.s32 $0x18000, s0  }
0x1e: {  	[tilespmem:s18], [sflag:$0x2] =	stream.linear.gather [hbm4b:s0+s4], $0x100, $0x38;
	[tilespmem:$0x1F700] =	vst v63  }
0x1f: {  	s0 =	simm.s32 @!p0 $0x3  }
0x20: {  	_ =	swait.ge @!p0 [sflag:s0], $0x1900  }
0x21: {  	[sflag:s0] =	ssyncset.done @!p0 $0x0  }
0x22: {  	s5 =	simm.s32 $0x18780;
	[sflag:s0] =	ssyncadd.s32 @!p0 $0xFFFFE700  }
0x23: {  	v0 =	vld [tilespmem:s5+$0x0];
	_ =	sdelay $0x1  }
0x24: {  	v1 =	vld [tilespmem:s5+$0xFFFFFF80];
	_ =	sdelay $0x5  }
0x25: {  	v0 =	vld.idx.msk [tilespmem:v0+s4+$0x0], $0xffff;
	_ =	sdelay $0x1  }
0x26: {  	v1 =	vld.idx.msk [tilespmem:v1+s4+$0x0], $0xffff;
	_ =	sdelay $0x1  }
0x27: {  	s29 =	simm.s32 $0x1BF80  }
0x28: {  	[tilespmem:s29+$0x0] =	vst v0  }
0x29: {  	v0 =	vld [tilespmem:s5+$0x10]  }
0x2a: {  	[tilespmem:s29+$0xFFFFFF80] =	vst v1  }
0x2b: {  	v1 =	vld [tilespmem:s5+$0xFFFFFF90];
	_ =	sdelay $0x3  }
0x2c: {  	s31 =	simm.s32 $0x18880  }
0x2d: {  	v2 =	vld [tilespmem:s31+$0x0]  }
0x2e: {  	v0 =	vld.idx.msk [tilespmem:v0+s4+$0x0], $0xffff;
	_ =	sdelay $0x1  }
0x2f: {  	v1 =	vld.idx.msk [tilespmem:v1+s4+$0x0], $0xffff;
	_ =	sdelay $0x2  }
0x30: {  	[tilespmem:s29+$0x10] =	vst v0  }
0x31: {  	v0 =	vld [tilespmem:s5+$0x20]  }
0x32: {  	[tilespmem:s29+$0xFFFFFF90] =	vst v1;
	v1 =	vld.idx.msk [tilespmem:v2+s4+$0x0], $0xffff  }
0x33: {  	v3 =	vld [tilespmem:s31+$0xFFFFFF80];
	_ =	sdelay $0x1  }
0x34: {  	v2 =	vld [tilespmem:s5+$0xFFFFFFA0]  }
0x35: {  	s30 =	simm.s32 $0x1C080  }
0x36: {  	[tilespmem:s30+$0x0] =	vst v1  }
0x37: {  	v1 =	vld [tilespmem:s31+$0x10]  }
0x38: {  	v0 =	vld.idx.msk [tilespmem:v0+s4+$0x0], $0xffff;
	_ =	sdelay $0x1  }
0x39: {  	v3 =	vld.idx.msk [tilespmem:v3+s4+$0x0], $0xffff;
	_ =	sdelay $0x1  }
0x3a: {  	v2 =	vld.idx.msk [tilespmem:v2+s4+$0x0], $0xffff  }
0x3b: {  	[tilespmem:s29+$0x20] =	vst v0  }
0x3c: {  	v0 =	vld [tilespmem:s5+$0x30]  }
0x3d: {  	[tilespmem:s30+$0xFFFFFF80] =	vst v3;
	v1 =	vld.idx.msk [tilespmem:v1+s4+$0x0], $0xffff  }
0x3e: {  	v3 =	vld [tilespmem:s31+$0xFFFFFF90]  }
0x3f: {  	[tilespmem:s29+$0xFFFFFFA0] =	vst v2  }
0x40: {  	v2 =	vld [tilespmem:s5+$0xFFFFFFB0];
	_ =	sdelay $0x1  }
0x41: {  	[tilespmem:s30+$0x10] =	vst v1  }
0x42: {  	v1 =	vld [tilespmem:s31+$0x20]  }
0x43: {  	s2 =	simm.s32 $0x18980;
	v0 =	vld.idx.msk [tilespmem:v0+s4+$0x0], $0xffff  }
0x44: {  	v4 =	vld [tilespmem:s2+$0x0]  }
0x45: {  	v3 =	vld.idx.msk [tilespmem:v3+s4+$0x0], $0xffff  }
0x46: {  	v5 =	vld [tilespmem:s2+$0xFFFFFF80]  }
0x47: {  	v2 =	vld.idx.msk [tilespmem:v2+s4+$0x0], $0xffff  }
0x48: {  	[tilespmem:s29+$0x30] =	vst v0  }
0x49: {  	v0 =	vld [tilespmem:s5+$0x40]  }
0x4a: {  	[tilespmem:s30+$0xFFFFFF90] =	vst v3;
	v1 =	vld.idx.msk [tilespmem:v1+s4+$0x0], $0xffff  }
0x4b: {  	v3 =	vld [tilespmem:s31+$0xFFFFFFA0]  }
0x4c: {  	v4 =	vld.idx.msk [tilespmem:v4+s4+$0x0], $0xffff;
	[tilespmem:s29+$0xFFFFFFB0] =	vst v2  }
0x4d: {  	v2 =	vld [tilespmem:s5+$0xFFFFFFC0]  }
0x4e: {  	s14 =	simm.s32 $0x18A80;
	v5 =	vld.idx.msk [tilespmem:v5+s4+$0x0], $0xffff  }
0x4f: {  	v6 =	vld [tilespmem:s14+$0x0];
	[tilespmem:s30+$0x20] =	vst v1  }
0x50: {  	s0 =	simm.s32 $0x1C180;
	v1 =	vld [tilespmem:s31+$0x30]  }
0x51: {  	[tilespmem:s0+$0x0] =	vst v4;
	v0 =	vld.idx.msk [tilespmem:v0+s4+$0x0], $0xffff  }
0x52: {  	v4 =	vld [tilespmem:s2+$0x10]  }
0x53: {  	[tilespmem:s0+$0xFFFFFF80] =	vst v5;
	v3 =	vld.idx.msk [tilespmem:v3+s4+$0x0], $0xffff  }
0x54: {  	v5 =	vld [tilespmem:s2+$0xFFFFFF90]  }
0x55: {  	v2 =	vld.idx.msk [tilespmem:v2+s4+$0x0], $0xffff  }
0x56: {  	v7 =	vld [tilespmem:s14+$0xFFFFFF80];
	[tilespmem:s29+$0x40] =	vst v0  }
0x57: {  	v0 =	vld [tilespmem:s5+$0x50]  }
0x58: {  	[tilespmem:s30+$0xFFFFFFA0] =	vst v3;
	v1 =	vld.idx.msk [tilespmem:v1+s4+$0x0], $0xffff  }
0x59: {  	v3 =	vld [tilespmem:s31+$0xFFFFFFB0]  }
0x5a: {  	v4 =	vld.idx.msk [tilespmem:v4+s4+$0x0], $0xffff;
	[tilespmem:s29+$0xFFFFFFC0] =	vst v2  }
0x5b: {  	v2 =	vld [tilespmem:s5+$0xFFFFFFD0]  }
0x5c: {  	v5 =	vld.idx.msk [tilespmem:v5+s4+$0x0], $0xffff  }
0x5d: {  	v6 =	vld.idx.msk [tilespmem:v6+s4+$0x0], $0xffff;
	[tilespmem:s30+$0x30] =	vst v1  }
0x5e: {  	v1 =	vld [tilespmem:s31+$0x40]  }
0x5f: {  	[tilespmem:s0+$0x10] =	vst v4;
	v0 =	vld.idx.msk [tilespmem:v0+s4+$0x0], $0xffff  }
0x60: {  	v4 =	vld [tilespmem:s2+$0x20]  }
0x61: {  	[tilespmem:s0+$0xFFFFFF90] =	vst v5;
	v3 =	vld.idx.msk [tilespmem:v3+s4+$0x0], $0xffff  }
0x62: {  	v5 =	vld [tilespmem:s2+$0xFFFFFFA0]  }
0x63: {  	v2 =	vld.idx.msk [tilespmem:v2+s4+$0x0], $0xffff  }
0x64: {  	v7 =	vld.idx.msk [tilespmem:v7+s4+$0x0], $0xffff;
	[tilespmem:s29+$0x50] =	vst v0  }
0x65: {  	v0 =	vld [tilespmem:s5+$0x60]  }
0x66: {  	s15 =	simm.s32 $0x1C280;
	[tilespmem:s30+$0xFFFFFFB0] =	vst v3;
	v1 =	vld.idx.msk [tilespmem:v1+s4+$0x0], $0xffff  }
0x67: {  	[tilespmem:s15+$0x0] =	vst v6;
	v3 =	vld [tilespmem:s31+$0xFFFFFFC0]  }
0x68: {  	[tilespmem:s29+$0xFFFFFFD0] =	vst v2;
	v2 =	vld.idx.msk [tilespmem:v4+s4+$0x0], $0xffff  }
0x69: {  	v6 =	vld [tilespmem:s14+$0x10]  }
0x6a: {  	v4 =	vld [tilespmem:s5+$0xFFFFFFE0]  }
0x6b: {  	v5 =	vld.idx.msk [tilespmem:v5+s4+$0x0], $0xffff;
	[tilespmem:s30+$0x40] =	vst v1  }
0x6c: {  	v1 =	vld [tilespmem:s31+$0x50]  }
0x6d: {  	[tilespmem:s0+$0x20] =	vst v2;
	v0 =	vld.idx.msk [tilespmem:v0+s4+$0x0], $0xffff  }
0x6e: {  	v2 =	vld [tilespmem:s2+$0x30]  }
0x6f: {  	[tilespmem:s15+$0xFFFFFF80] =	vst v7;
	v3 =	vld.idx.msk [tilespmem:v3+s4+$0x0], $0xffff  }
0x70: {  	v8 =	vld [tilespmem:s14+$0xFFFFFF90];
	[tilespmem:s0+$0xFFFFFFA0] =	vst v5  }
0x71: {  	v9 =	vld [tilespmem:s2+$0xFFFFFFB0]  }
0x72: {  	v4 =	vld.idx.msk [tilespmem:v4+s4+$0x0], $0xffff;
	[tilespmem:s29+$0x60] =	vst v0  }
0x73: {  	v0 =	vld [tilespmem:s5+$0x70]  }
0x74: {  	[tilespmem:s30+$0xFFFFFFC0] =	vst v3;
	v1 =	vld.idx.msk [tilespmem:v1+s4+$0x0], $0xffff  }
0x75: {  	v10 =	vld [tilespmem:s31+$0xFFFFFFD0]  }
0x76: {  	v2 =	vld.idx.msk [tilespmem:v2+s4+$0x0], $0xffff  }
0x77: {  	[tilespmem:s29+$0xFFFFFFE0] =	vst v4;
	v4 =	vld.idx.msk [tilespmem:v6+s4+$0x0], $0xffff;
	_ =	sdelay $0x1  }
0x78: {  	v5 =	vld.idx.msk [tilespmem:v8+s4+$0x0], $0xffff;
	[tilespmem:s30+$0x50] =	vst v1  }
0x79: {  	v1 =	vld [tilespmem:s31+$0x60]  }
0x7a: {  	[tilespmem:s0+$0x30] =	vst v2;
	v7 =	vld.idx.msk [tilespmem:v0+s4+$0x0], $0xffff  }
0x7b: {  	[tilespmem:s15+$0x10] =	vst v4;
	v4 =	vld.idx.msk [tilespmem:v9+s4+$0x0], $0xffff  }
0x7c: {  	v3 =	vld [tilespmem:s2+$0x40]  }
0x7d: {  	v2 =	vld.idx.msk [tilespmem:v10+s4+$0x0], $0xffff  }
0x7e: {  	v6 =	vld [tilespmem:s14+$0x20]  }
0x7f: {  	s6 =	simm.s32 $0x18B80;
	v0 =	vld [tilespmem:s5+$0xFFFFFFF0];
	s5 =	simm.s32 $0x6;
	[tilespmem:s29+$0x70] =	vst v7  }
.LBB2_3:
0x80: {  	v7 =	vld [tilespmem:s6+$0x0];
	s5 =	sadd.s32 $0x2, s5;
	s9 =	smov.u32 s0;
	s0 =	smov.u32 s15  }
0x81: {  	v8 =	vld [tilespmem:s6+$0xFFFFFF80];
	p0 =	slt.u32 s5, $0x30;
	[tilespmem:s15+$0xFFFFFF90] =	vst v5  }
0x82: {  	v1 =	vld.idx.msk [tilespmem:v1+s4+$0x0], $0xffff  }
0x83: {  	v5 =	vld [tilespmem:s14+$0xFFFFFFA0];
	[tilespmem:s9+$0xFFFFFFB0] =	vst v4  }
0x84: {  	v3 =	vld.idx.msk [tilespmem:v3+s4+$0x0], $0xffff  }
0x85: {  	v4 =	vld [tilespmem:s2+$0xFFFFFFC0];
	[tilespmem:s30+$0xFFFFFFD0] =	vst v2  }
0x86: {  	v2 =	vld.idx.msk [tilespmem:v6+s4+$0x0], $0xffff  }
0x87: {  	v6 =	vld [tilespmem:s31+$0xFFFFFFE0]  }
0x88: {  	v7 =	vld.idx.msk [tilespmem:v7+s4+$0x0], $0xffff;
	[tilespmem:s30+$0x60] =	vst v1  }
0x89: {  	v1 =	vld [tilespmem:s31+$0x70]  }
0x8a: {  	v8 =	vld.idx.msk [tilespmem:v8+s4+$0x0], $0xffff;
	[tilespmem:s9+$0x40] =	vst v3  }
0x8b: {  	v3 =	vld [tilespmem:s2+$0x50]  }
0x8c: {  	v5 =	vld.idx.msk [tilespmem:v5+s4+$0x0], $0xffff;
	[tilespmem:s15+$0x20] =	vst v2  }
0x8d: {  	s15 =	sadd.s32 $0x100, s15;
	v2 =	vld [tilespmem:s14+$0x30]  }
0x8e: {  	[tilespmem:s15+$0x0] =	vst v7;
	v4 =	vld.idx.msk [tilespmem:v4+s4+$0x0], $0xffff  }
0x8f: {  	v7 =	vld [tilespmem:s6+$0x10]  }
0x90: {  	[tilespmem:s15+$0xFFFFFF80] =	vst v8;
	v6 =	vld.idx.msk [tilespmem:v6+s4+$0x0], $0xffff  }
0x91: {  	v1 =	vld.idx.msk [tilespmem:v1+s4+$0x0], $0xffff  }
0x92: {  	v8 =	vld [tilespmem:s6+$0xFFFFFF90];
	[tilespmem:s0+$0xFFFFFFA0] =	vst v5  }
0x93: {  	v3 =	vld.idx.msk [tilespmem:v3+s4+$0x0], $0xffff  }
0x94: {  	v9 =	vld [tilespmem:s14+$0xFFFFFFB0];
	[tilespmem:s9+$0xFFFFFFC0] =	vst v4  }
0x95: {  	v2 =	vld.idx.msk [tilespmem:v2+s4+$0x0], $0xffff  }
0x96: {  	v10 =	vld [tilespmem:s2+$0xFFFFFFD0];
	[tilespmem:s30+$0xFFFFFFE0] =	vst v6  }
0x97: {  	v4 =	vld.idx.msk [tilespmem:v7+s4+$0x0], $0xffff;
	[tilespmem:s30+$0x70] =	vst v1  }
0x98: {  	v6 =	vld [tilespmem:s31+$0xFFFFFFF0];
	s31 =	smov.u32 s2;
	s2 =	smov.u32 s14;
	s14 =	smov.u32 s6  }
0x99: {  	[tilespmem:s9+$0x50] =	vst v3;
	v7 =	vld.idx.msk [tilespmem:v0+s4+$0x0], $0xffff  }
0x9a: {  	v1 =	vld [tilespmem:s31+$0x60]  }
.Ltmp0:
0x9b: {  	v5 =	vld.idx.msk [tilespmem:v8+s4+$0x0], $0xffff;
	[tilespmem:s0+$0x30] =	vst v2;
	(pc) =	sbr.rel @p0 .LBB2_3-.Ltmp0, $4  }
0x9c: {  	v3 =	vld [tilespmem:s2+$0x40]  }
0x9d: {  	[tilespmem:s15+$0x10] =	vst v4;
	v4 =	vld.idx.msk [tilespmem:v9+s4+$0x0], $0xffff;
	v0 =	vmov v6  }
0x9e: {  	v6 =	vld [tilespmem:s6+$0x20]  }
0x9f: {  	s6 =	sadd.s32 $0x100, s6;
	v2 =	vld.idx.msk [tilespmem:v10+s4+$0x0], $0xffff;
	[tilespmem:s29+$0xFFFFFFF0] =	vst v7;
	s29 =	smov.u32 s30;
	s30 =	smov.u32 s9  }
0xa0: {  	[tilespmem:s15+$0xFFFFFF90] =	vst v5  }
0xa1: {  	v5 =	vld [tilespmem:s14+$0xFFFFFFA0];
	_ =	sdelay $0x6  }
0xa2: {  	v6 =	vld.idx.msk [tilespmem:v6+s4+$0x0], $0xffff  }
0xa3: {  	v5 =	vld.idx.msk [tilespmem:v5+s4+$0x0], $0xffff;
	_ =	sdelay $0x3  }
0xa4: {  	[tilespmem:s15+$0x20] =	vst v6  }
0xa5: {  	v6 =	vld [tilespmem:s14+$0x30];
	[tilespmem:s15+$0xFFFFFFA0] =	vst v5  }
0xa6: {  	v5 =	vld [tilespmem:s14+$0xFFFFFFB0];
	_ =	sdelay $0x6  }
0xa7: {  	v6 =	vld.idx.msk [tilespmem:v6+s4+$0x0], $0xffff  }
0xa8: {  	v5 =	vld.idx.msk [tilespmem:v5+s4+$0x0], $0xffff;
	_ =	sdelay $0x2  }
0xa9: {  	[tilespmem:s0+$0xFFFFFFB0] =	vst v4  }
0xaa: {  	[tilespmem:s15+$0x30] =	vst v6;
	v6 =	vld [tilespmem:s2+$0xFFFFFFC0]  }
0xab: {  	v4 =	vld [tilespmem:s14+$0x40];
	[tilespmem:s15+$0xFFFFFFB0] =	vst v5  }
0xac: {  	v5 =	vld [tilespmem:s14+$0xFFFFFFC0];
	_ =	sdelay $0x4  }
0xad: {  	v3 =	vld.idx.msk [tilespmem:v3+s4+$0x0], $0xffff  }
0xae: {  	v6 =	vld.idx.msk [tilespmem:v6+s4+$0x0], $0xffff  }
0xaf: {  	v4 =	vld.idx.msk [tilespmem:v4+s4+$0x0], $0xffff  }
0xb0: {  	v5 =	vld.idx.msk [tilespmem:v5+s4+$0x0], $0xffff;
	_ =	sdelay $0x1  }
0xb1: {  	[tilespmem:s0+$0x40] =	vst v3  }
0xb2: {  	v3 =	vld [tilespmem:s2+$0x50];
	[tilespmem:s0+$0xFFFFFFC0] =	vst v6  }
0xb3: {  	[tilespmem:s15+$0x40] =	vst v4;
	v6 =	vld [tilespmem:s2+$0xFFFFFFD0]  }
0xb4: {  	v4 =	vld [tilespmem:s14+$0x50];
	[tilespmem:s15+$0xFFFFFFC0] =	vst v5  }
0xb5: {  	v5 =	vld [tilespmem:s14+$0xFFFFFFD0];
	_ =	sdelay $0x4  }
0xb6: {  	v3 =	vld.idx.msk [tilespmem:v3+s4+$0x0], $0xffff  }
0xb7: {  	v6 =	vld.idx.msk [tilespmem:v6+s4+$0x0], $0xffff  }
0xb8: {  	v4 =	vld.idx.msk [tilespmem:v4+s4+$0x0], $0xffff  }
0xb9: {  	v5 =	vld.idx.msk [tilespmem:v5+s4+$0x0], $0xffff  }
0xba: {  	v1 =	vld.idx.msk [tilespmem:v1+s4+$0x0], $0xffff;
	[tilespmem:s30+$0xFFFFFFD0] =	vst v2  }
0xbb: {  	[tilespmem:s0+$0x50] =	vst v3;
	v3 =	vld [tilespmem:s31+$0xFFFFFFE0]  }
0xbc: {  	v2 =	vld [tilespmem:s2+$0x60];
	[tilespmem:s0+$0xFFFFFFD0] =	vst v6  }
0xbd: {  	[tilespmem:s15+$0x50] =	vst v4;
	v6 =	vld [tilespmem:s2+$0xFFFFFFE0]  }
0xbe: {  	v4 =	vld [tilespmem:s14+$0x60];
	[tilespmem:s15+$0xFFFFFFD0] =	vst v5  }
0xbf: {  	v5 =	vld [tilespmem:s14+$0xFFFFFFE0];
	_ =	sdelay $0x1  }
0xc0: {  	[tilespmem:s30+$0x60] =	vst v1  }
0xc1: {  	v1 =	vld [tilespmem:s31+$0x70]  }
0xc2: {  	v3 =	vld.idx.msk [tilespmem:v3+s4+$0x0], $0xffff  }
0xc3: {  	v2 =	vld.idx.msk [tilespmem:v2+s4+$0x0], $0xffff  }
0xc4: {  	v6 =	vld.idx.msk [tilespmem:v6+s4+$0x0], $0xffff  }
0xc5: {  	v4 =	vld.idx.msk [tilespmem:v4+s4+$0x0], $0xffff  }
0xc6: {  	v5 =	vld.idx.msk [tilespmem:v5+s4+$0x0], $0xffff  }
0xc7: {  	[tilespmem:s30+$0xFFFFFFE0] =	vst v3  }
0xc8: {  	[tilespmem:s0+$0x60] =	vst v2;
	v3 =	vld [tilespmem:s31+$0xFFFFFFF0]  }
0xc9: {  	v2 =	vld [tilespmem:s2+$0x70];
	[tilespmem:s0+$0xFFFFFFE0] =	vst v6  }
0xca: {  	[tilespmem:s15+$0x60] =	vst v4;
	v6 =	vld [tilespmem:s2+$0xFFFFFFF0]  }
0xcb: {  	v4 =	vld [tilespmem:s14+$0x70];
	[tilespmem:s15+$0xFFFFFFE0] =	vst v5  }
0xcc: {  	v5 =	vld [tilespmem:s14+$0xFFFFFFF0]  }
0xcd: {  	v1 =	vld.idx.msk [tilespmem:v1+s4+$0x0], $0xffff;
	_ =	sdelay $0x1  }
0xce: {  	v0 =	vld.idx.msk [tilespmem:v0+s4+$0x0], $0xffff  }
0xcf: {  	v3 =	vld.idx.msk [tilespmem:v3+s4+$0x0], $0xffff  }
0xd0: {  	v2 =	vld.idx.msk [tilespmem:v2+s4+$0x0], $0xffff  }
0xd1: {  	[tilespmem:s30+$0x70] =	vst v1;
	v1 =	vld.idx.msk [tilespmem:v6+s4+$0x0], $0xffff  }
0xd2: {  	v4 =	vld.idx.msk [tilespmem:v4+s4+$0x0], $0xffff  }
0xd3: {  	[tilespmem:s29+$0xFFFFFFF0] =	vst v0;
	v0 =	vld.idx.msk [tilespmem:v5+s4+$0x0], $0xffff  }
0xd4: {  	[tilespmem:s30+$0xFFFFFFF0] =	vst v3  }
0xd5: {  	s5 =	sshll.u32 s26, $0xB;
	[tilespmem:s0+$0x70] =	vst v2  }
0xd6: {  	s2 =	sadd.s32 s7, s5;
	[tilespmem:s0+$0xFFFFFFF0] =	vst v1  }
0xd7: {  	s6 =	sshrl.u32 s2, $0x3;
	[tilespmem:s15+$0x70] =	vst v4  }
0xd8: {  	p0 =	seq.s32 s26, $0x3F;
	s0 =	sadd.s32 s3, s6;
	[tilespmem:s15+$0xFFFFFFF0] =	vst v0  }
0xd9: {  	[hbm4b:s0+s10] =	stream.strided.scatter [tilespmem:s20], [sflag:$0x3], $0x1900, s19, s10, $0x38;
	[tilespmem:$0x1F700] =	vst v63  }
0xda: {  	p1 =	seq.s32 @!p0 s26, $0x0;
	s5 =	simm.s32 @!p0 $0x20000;
	_ =	swait.ge [sflag:s21], $0x1900  }
0xdb: {  	s2 =	simm.s32 @!p0 $0x400;
	s0 =	sshll.u32 @!p0 s26, $0x8;
	[sflag:s21] =	ssyncset.done $0x0  }
0xdc: {  	s6 =	simm.s32 @!p0 $0x18700;
	s0 =	sadd.s32 @!p0 s0, s8;
	[sflag:s21] =	ssyncadd.s32 $0xFFFFE700  }
0xdd: {  	[tilespmem:s6], [sflag:$0x1] =	stream.strided.gather @!p0 [hbm4b:s0+s2], $0x1800, s5, s2, $0x38;
	[tilespmem:$0x1F700] =	vst v63  }
0xde: {  	s0 =	sadd.s32 @!p0 $0x18000, s0;
	s2 =	simm.s32 @!p0 $0x0;
	s5 =	simm.s32 @!p0 $0x19F00  }
0xdf: {  	[tilespmem:s5], [sflag:$0x1] =	stream.linear.gather @!p0 [hbm4b:s0+s2], $0x100, $0x38;
	[tilespmem:$0x1F700] =	vst v63  }
0xe0: {  	p0 =	por p0, !p1  }
0xe1: {  	_ =	swait.ge @p0 [sflag:s24], $0x1900  }
0xe2: {  	[sflag:s24] =	ssyncset.done @p0 $0x0  }
0xe3: {  	s9 =	simm.s32 $0x1A380;
	[sflag:s24] =	ssyncadd.s32 @p0 $0xFFFFE700  }
0xe4: {  	v0 =	vld [tilespmem:s9+$0x0];
	_ =	sdelay $0x1  }
0xe5: {  	v1 =	vld [tilespmem:s9+$0xFFFFFF80];
	_ =	sdelay $0x5  }
0xe6: {  	v0 =	vld.idx.msk [tilespmem:v0+s4+$0x0], $0xffff;
	_ =	sdelay $0x1  }
0xe7: {  	v1 =	vld.idx.msk [tilespmem:v1+s4+$0x0], $0xffff;
	_ =	sdelay $0x1  }
0xe8: {  	s29 =	simm.s32 $0x1DB80  }
0xe9: {  	[tilespmem:s29+$0x0] =	vst v0  }
0xea: {  	v0 =	vld [tilespmem:s9+$0x10]  }
0xeb: {  	[tilespmem:s29+$0xFFFFFF80] =	vst v1  }
0xec: {  	v1 =	vld [tilespmem:s9+$0xFFFFFF90];
	_ =	sdelay $0x3  }
0xed: {  	s31 =	simm.s32 $0x1A480  }
0xee: {  	v2 =	vld [tilespmem:s31+$0x0]  }
0xef: {  	v0 =	vld.idx.msk [tilespmem:v0+s4+$0x0], $0xffff;
	_ =	sdelay $0x1  }
0xf0: {  	v1 =	vld.idx.msk [tilespmem:v1+s4+$0x0], $0xffff;
	_ =	sdelay $0x2  }
0xf1: {  	[tilespmem:s29+$0x10] =	vst v0  }
0xf2: {  	v0 =	vld [tilespmem:s9+$0x20]  }
0xf3: {  	[tilespmem:s29+$0xFFFFFF90] =	vst v1;
	v1 =	vld.idx.msk [tilespmem:v2+s4+$0x0], $0xffff  }
0xf4: {  	v3 =	vld [tilespmem:s31+$0xFFFFFF80];
	_ =	sdelay $0x1  }
0xf5: {  	v2 =	vld [tilespmem:s9+$0xFFFFFFA0]  }
0xf6: {  	s30 =	simm.s32 $0x1DC80  }
0xf7: {  	[tilespmem:s30+$0x0] =	vst v1  }
0xf8: {  	v1 =	vld [tilespmem:s31+$0x10]  }
0xf9: {  	v0 =	vld.idx.msk [tilespmem:v0+s4+$0x0], $0xffff;
	_ =	sdelay $0x1  }
0xfa: {  	v3 =	vld.idx.msk [tilespmem:v3+s4+$0x0], $0xffff;
	_ =	sdelay $0x1  }
0xfb: {  	v2 =	vld.idx.msk [tilespmem:v2+s4+$0x0], $0xffff  }
0xfc: {  	[tilespmem:s29+$0x20] =	vst v0  }
0xfd: {  	v0 =	vld [tilespmem:s9+$0x30]  }
0xfe: {  	[tilespmem:s30+$0xFFFFFF80] =	vst v3;
	v1 =	vld.idx.msk [tilespmem:v1+s4+$0x0], $0xffff  }
0xff: {  	v3 =	vld [tilespmem:s31+$0xFFFFFF90]  }
0x100: {  	[tilespmem:s29+$0xFFFFFFA0] =	vst v2  }
0x101: {  	v2 =	vld [tilespmem:s9+$0xFFFFFFB0];
	_ =	sdelay $0x1  }
0x102: {  	[tilespmem:s30+$0x10] =	vst v1  }
0x103: {  	v1 =	vld [tilespmem:s31+$0x20]  }
0x104: {  	s2 =	simm.s32 $0x1A580;
	v0 =	vld.idx.msk [tilespmem:v0+s4+$0x0], $0xffff  }
0x105: {  	v4 =	vld [tilespmem:s2+$0x0]  }
0x106: {  	v3 =	vld.idx.msk [tilespmem:v3+s4+$0x0], $0xffff  }
0x107: {  	v5 =	vld [tilespmem:s2+$0xFFFFFF80]  }
0x108: {  	v2 =	vld.idx.msk [tilespmem:v2+s4+$0x0], $0xffff  }
0x109: {  	[tilespmem:s29+$0x30] =	vst v0  }
0x10a: {  	v0 =	vld [tilespmem:s9+$0x40]  }
0x10b: {  	[tilespmem:s30+$0xFFFFFF90] =	vst v3;
	v1 =	vld.idx.msk [tilespmem:v1+s4+$0x0], $0xffff  }
0x10c: {  	v3 =	vld [tilespmem:s31+$0xFFFFFFA0]  }
0x10d: {  	v4 =	vld.idx.msk [tilespmem:v4+s4+$0x0], $0xffff;
	[tilespmem:s29+$0xFFFFFFB0] =	vst v2  }
0x10e: {  	v2 =	vld [tilespmem:s9+$0xFFFFFFC0]  }
0x10f: {  	s14 =	simm.s32 $0x1A680;
	v5 =	vld.idx.msk [tilespmem:v5+s4+$0x0], $0xffff  }
0x110: {  	v6 =	vld [tilespmem:s14+$0x0];
	[tilespmem:s30+$0x20] =	vst v1  }
0x111: {  	s0 =	simm.s32 $0x1DD80;
	v1 =	vld [tilespmem:s31+$0x30]  }
0x112: {  	[tilespmem:s0+$0x0] =	vst v4;
	v0 =	vld.idx.msk [tilespmem:v0+s4+$0x0], $0xffff  }
0x113: {  	v4 =	vld [tilespmem:s2+$0x10]  }
0x114: {  	[tilespmem:s0+$0xFFFFFF80] =	vst v5;
	v3 =	vld.idx.msk [tilespmem:v3+s4+$0x0], $0xffff  }
0x115: {  	v5 =	vld [tilespmem:s2+$0xFFFFFF90]  }
0x116: {  	v2 =	vld.idx.msk [tilespmem:v2+s4+$0x0], $0xffff  }
0x117: {  	v7 =	vld [tilespmem:s14+$0xFFFFFF80];
	[tilespmem:s29+$0x40] =	vst v0  }
0x118: {  	v0 =	vld [tilespmem:s9+$0x50]  }
0x119: {  	[tilespmem:s30+$0xFFFFFFA0] =	vst v3;
	v1 =	vld.idx.msk [tilespmem:v1+s4+$0x0], $0xffff  }
0x11a: {  	v3 =	vld [tilespmem:s31+$0xFFFFFFB0]  }
0x11b: {  	v4 =	vld.idx.msk [tilespmem:v4+s4+$0x0], $0xffff;
	[tilespmem:s29+$0xFFFFFFC0] =	vst v2  }
0x11c: {  	v2 =	vld [tilespmem:s9+$0xFFFFFFD0]  }
0x11d: {  	v5 =	vld.idx.msk [tilespmem:v5+s4+$0x0], $0xffff  }
0x11e: {  	v6 =	vld.idx.msk [tilespmem:v6+s4+$0x0], $0xffff;
	[tilespmem:s30+$0x30] =	vst v1  }
0x11f: {  	v1 =	vld [tilespmem:s31+$0x40]  }
0x120: {  	[tilespmem:s0+$0x10] =	vst v4;
	v0 =	vld.idx.msk [tilespmem:v0+s4+$0x0], $0xffff  }
0x121: {  	v4 =	vld [tilespmem:s2+$0x20]  }
0x122: {  	[tilespmem:s0+$0xFFFFFF90] =	vst v5;
	v3 =	vld.idx.msk [tilespmem:v3+s4+$0x0], $0xffff  }
0x123: {  	v5 =	vld [tilespmem:s2+$0xFFFFFFA0]  }
0x124: {  	v2 =	vld.idx.msk [tilespmem:v2+s4+$0x0], $0xffff  }
0x125: {  	v7 =	vld.idx.msk [tilespmem:v7+s4+$0x0], $0xffff;
	[tilespmem:s29+$0x50] =	vst v0  }
0x126: {  	v0 =	vld [tilespmem:s9+$0x60]  }
0x127: {  	s15 =	simm.s32 $0x1DE80;
	[tilespmem:s30+$0xFFFFFFB0] =	vst v3;
	v1 =	vld.idx.msk [tilespmem:v1+s4+$0x0], $0xffff  }
0x128: {  	[tilespmem:s15+$0x0] =	vst v6;
	v3 =	vld [tilespmem:s31+$0xFFFFFFC0]  }
0x129: {  	[tilespmem:s29+$0xFFFFFFD0] =	vst v2;
	v2 =	vld.idx.msk [tilespmem:v4+s4+$0x0], $0xffff  }
0x12a: {  	v6 =	vld [tilespmem:s14+$0x10]  }
0x12b: {  	v4 =	vld [tilespmem:s9+$0xFFFFFFE0]  }
0x12c: {  	v5 =	vld.idx.msk [tilespmem:v5+s4+$0x0], $0xffff;
	[tilespmem:s30+$0x40] =	vst v1  }
0x12d: {  	v1 =	vld [tilespmem:s31+$0x50]  }
0x12e: {  	[tilespmem:s0+$0x20] =	vst v2;
	v0 =	vld.idx.msk [tilespmem:v0+s4+$0x0], $0xffff  }
0x12f: {  	v2 =	vld [tilespmem:s2+$0x30]  }
0x130: {  	[tilespmem:s15+$0xFFFFFF80] =	vst v7;
	v3 =	vld.idx.msk [tilespmem:v3+s4+$0x0], $0xffff  }
0x131: {  	v8 =	vld [tilespmem:s14+$0xFFFFFF90];
	[tilespmem:s0+$0xFFFFFFA0] =	vst v5  }
0x132: {  	v9 =	vld [tilespmem:s2+$0xFFFFFFB0]  }
0x133: {  	v4 =	vld.idx.msk [tilespmem:v4+s4+$0x0], $0xffff;
	[tilespmem:s29+$0x60] =	vst v0  }
0x134: {  	v0 =	vld [tilespmem:s9+$0x70]  }
0x135: {  	[tilespmem:s30+$0xFFFFFFC0] =	vst v3;
	v1 =	vld.idx.msk [tilespmem:v1+s4+$0x0], $0xffff  }
0x136: {  	v10 =	vld [tilespmem:s31+$0xFFFFFFD0]  }
0x137: {  	v2 =	vld.idx.msk [tilespmem:v2+s4+$0x0], $0xffff  }
0x138: {  	[tilespmem:s29+$0xFFFFFFE0] =	vst v4;
	v4 =	vld.idx.msk [tilespmem:v6+s4+$0x0], $0xffff;
	_ =	sdelay $0x1  }
0x139: {  	v5 =	vld.idx.msk [tilespmem:v8+s4+$0x0], $0xffff;
	[tilespmem:s30+$0x50] =	vst v1  }
0x13a: {  	v1 =	vld [tilespmem:s31+$0x60]  }
0x13b: {  	[tilespmem:s0+$0x30] =	vst v2;
	v7 =	vld.idx.msk [tilespmem:v0+s4+$0x0], $0xffff  }
0x13c: {  	[tilespmem:s15+$0x10] =	vst v4;
	v4 =	vld.idx.msk [tilespmem:v9+s4+$0x0], $0xffff  }
0x13d: {  	v3 =	vld [tilespmem:s2+$0x40]  }
0x13e: {  	v2 =	vld.idx.msk [tilespmem:v10+s4+$0x0], $0xffff  }
0x13f: {  	v6 =	vld [tilespmem:s14+$0x20]  }
0x140: {  	s6 =	simm.s32 $0x1A780;
	s5 =	simm.s32 $0x6;
	v0 =	vld [tilespmem:s9+$0xFFFFFFF0];
	[tilespmem:s29+$0x70] =	vst v7  }
.LBB2_5:
0x141: {  	v7 =	vld [tilespmem:s6+$0x0];
	s5 =	sadd.s32 $0x2, s5;
	s9 =	smov.u32 s0;
	s0 =	smov.u32 s15  }
0x142: {  	v8 =	vld [tilespmem:s6+$0xFFFFFF80];
	p0 =	slt.u32 s5, $0x30;
	[tilespmem:s15+$0xFFFFFF90] =	vst v5  }
0x143: {  	v1 =	vld.idx.msk [tilespmem:v1+s4+$0x0], $0xffff  }
0x144: {  	v5 =	vld [tilespmem:s14+$0xFFFFFFA0];
	[tilespmem:s9+$0xFFFFFFB0] =	vst v4  }
0x145: {  	v3 =	vld.idx.msk [tilespmem:v3+s4+$0x0], $0xffff  }
0x146: {  	v4 =	vld [tilespmem:s2+$0xFFFFFFC0];
	[tilespmem:s30+$0xFFFFFFD0] =	vst v2  }
0x147: {  	v2 =	vld.idx.msk [tilespmem:v6+s4+$0x0], $0xffff  }
0x148: {  	v6 =	vld [tilespmem:s31+$0xFFFFFFE0]  }
0x149: {  	v7 =	vld.idx.msk [tilespmem:v7+s4+$0x0], $0xffff;
	[tilespmem:s30+$0x60] =	vst v1  }
0x14a: {  	v1 =	vld [tilespmem:s31+$0x70]  }
0x14b: {  	v8 =	vld.idx.msk [tilespmem:v8+s4+$0x0], $0xffff;
	[tilespmem:s9+$0x40] =	vst v3  }
0x14c: {  	v3 =	vld [tilespmem:s2+$0x50]  }
0x14d: {  	v5 =	vld.idx.msk [tilespmem:v5+s4+$0x0], $0xffff;
	[tilespmem:s15+$0x20] =	vst v2  }
0x14e: {  	s15 =	sadd.s32 $0x100, s15;
	v2 =	vld [tilespmem:s14+$0x30]  }
0x14f: {  	[tilespmem:s15+$0x0] =	vst v7;
	v4 =	vld.idx.msk [tilespmem:v4+s4+$0x0], $0xffff  }
0x150: {  	v7 =	vld [tilespmem:s6+$0x10]  }
0x151: {  	[tilespmem:s15+$0xFFFFFF80] =	vst v8;
	v6 =	vld.idx.msk [tilespmem:v6+s4+$0x0], $0xffff  }
0x152: {  	v1 =	vld.idx.msk [tilespmem:v1+s4+$0x0], $0xffff  }
0x153: {  	v8 =	vld [tilespmem:s6+$0xFFFFFF90];
	[tilespmem:s0+$0xFFFFFFA0] =	vst v5  }
0x154: {  	v3 =	vld.idx.msk [tilespmem:v3+s4+$0x0], $0xffff  }
0x155: {  	v9 =	vld [tilespmem:s14+$0xFFFFFFB0];
	[tilespmem:s9+$0xFFFFFFC0] =	vst v4  }
0x156: {  	v2 =	vld.idx.msk [tilespmem:v2+s4+$0x0], $0xffff  }
0x157: {  	v10 =	vld [tilespmem:s2+$0xFFFFFFD0];
	[tilespmem:s30+$0xFFFFFFE0] =	vst v6  }
0x158: {  	v4 =	vld.idx.msk [tilespmem:v7+s4+$0x0], $0xffff;
	[tilespmem:s30+$0x70] =	vst v1  }
0x159: {  	v6 =	vld [tilespmem:s31+$0xFFFFFFF0];
	s31 =	smov.u32 s2;
	s2 =	smov.u32 s14;
	s14 =	smov.u32 s6  }
0x15a: {  	[tilespmem:s9+$0x50] =	vst v3;
	v7 =	vld.idx.msk [tilespmem:v0+s4+$0x0], $0xffff  }
0x15b: {  	v1 =	vld [tilespmem:s31+$0x60]  }
.Ltmp1:
0x15c: {  	v5 =	vld.idx.msk [tilespmem:v8+s4+$0x0], $0xffff;
	[tilespmem:s0+$0x30] =	vst v2;
	(pc) =	sbr.rel @p0 .LBB2_5-.Ltmp1, $4  }
0x15d: {  	v3 =	vld [tilespmem:s2+$0x40]  }
0x15e: {  	[tilespmem:s15+$0x10] =	vst v4;
	v4 =	vld.idx.msk [tilespmem:v9+s4+$0x0], $0xffff;
	v0 =	vmov v6  }
0x15f: {  	v6 =	vld [tilespmem:s6+$0x20]  }
0x160: {  	s6 =	sadd.s32 $0x100, s6;
	v2 =	vld.idx.msk [tilespmem:v10+s4+$0x0], $0xffff;
	[tilespmem:s29+$0xFFFFFFF0] =	vst v7;
	s29 =	smov.u32 s30;
	s30 =	smov.u32 s9  }
0x161: {  	[tilespmem:s15+$0xFFFFFF90] =	vst v5  }
0x162: {  	v5 =	vld [tilespmem:s14+$0xFFFFFFA0];
	_ =	sdelay $0x6  }
0x163: {  	v6 =	vld.idx.msk [tilespmem:v6+s4+$0x0], $0xffff  }
0x164: {  	v5 =	vld.idx.msk [tilespmem:v5+s4+$0x0], $0xffff;
	_ =	sdelay $0x3  }
0x165: {  	[tilespmem:s15+$0x20] =	vst v6  }
0x166: {  	v6 =	vld [tilespmem:s14+$0x30];
	[tilespmem:s15+$0xFFFFFFA0] =	vst v5  }
0x167: {  	v5 =	vld [tilespmem:s14+$0xFFFFFFB0];
	_ =	sdelay $0x6  }
0x168: {  	v6 =	vld.idx.msk [tilespmem:v6+s4+$0x0], $0xffff  }
0x169: {  	v5 =	vld.idx.msk [tilespmem:v5+s4+$0x0], $0xffff;
	_ =	sdelay $0x2  }
0x16a: {  	[tilespmem:s0+$0xFFFFFFB0] =	vst v4  }
0x16b: {  	v59 =	vld [tilespmem:s2+$0xFFFFFFC0];
	[tilespmem:s15+$0x30] =	vst v6  }
0x16c: {  	v58 =	vld [tilespmem:s14+$0x40];
	[tilespmem:s15+$0xFFFFFFB0] =	vst v5  }
0x16d: {  	v5 =	vld [tilespmem:s14+$0xFFFFFFC0];
	_ =	sdelay $0x4  }
0x16e: {  	v3 =	vld.idx.msk [tilespmem:v3+s4+$0x0], $0xffff  }
0x16f: {  	v6 =	vld.idx.msk [tilespmem:v59+s4+$0x0], $0xffff  }
0x170: {  	v4 =	vld.idx.msk [tilespmem:v58+s4+$0x0], $0xffff  }
0x171: {  	v5 =	vld.idx.msk [tilespmem:v5+s4+$0x0], $0xffff;
	_ =	sdelay $0x1  }
0x172: {  	[tilespmem:s0+$0x40] =	vst v3  }
0x173: {  	v3 =	vld [tilespmem:s2+$0x50];
	[tilespmem:s0+$0xFFFFFFC0] =	vst v6  }
0x174: {  	v6 =	vld [tilespmem:s2+$0xFFFFFFD0];
	[tilespmem:s15+$0x40] =	vst v4  }
0x175: {  	v4 =	vld [tilespmem:s14+$0x50];
	[tilespmem:s15+$0xFFFFFFC0] =	vst v5  }
0x176: {  	v5 =	vld [tilespmem:s14+$0xFFFFFFD0];
	_ =	sdelay $0x4  }
0x177: {  	v3 =	vld.idx.msk [tilespmem:v3+s4+$0x0], $0xffff  }
0x178: {  	v6 =	vld.idx.msk [tilespmem:v6+s4+$0x0], $0xffff  }
0x179: {  	v4 =	vld.idx.msk [tilespmem:v4+s4+$0x0], $0xffff  }
0x17a: {  	v5 =	vld.idx.msk [tilespmem:v5+s4+$0x0], $0xffff  }
0x17b: {  	[tilespmem:s30+$0xFFFFFFD0] =	vst v2  }
0x17c: {  	v61 =	vld [tilespmem:s31+$0xFFFFFFE0];
	[tilespmem:s0+$0x50] =	vst v3  }
0x17d: {  	v60 =	vld [tilespmem:s2+$0x60];
	[tilespmem:s0+$0xFFFFFFD0] =	vst v6  }
0x17e: {  	v6 =	vld [tilespmem:s2+$0xFFFFFFE0];
	[tilespmem:s15+$0x50] =	vst v4  }
0x17f: {  	v4 =	vld [tilespmem:s14+$0x60];
	[tilespmem:s15+$0xFFFFFFD0] =	vst v5  }
0x180: {  	v5 =	vld [tilespmem:s14+$0xFFFFFFE0];
	_ =	sdelay $0x2  }
0x181: {  	v1 =	vld.idx.msk [tilespmem:v1+s4+$0x0], $0xffff  }
0x182: {  	v3 =	vld.idx.msk [tilespmem:v61+s4+$0x0], $0xffff  }
0x183: {  	v2 =	vld.idx.msk [tilespmem:v60+s4+$0x0], $0xffff  }
0x184: {  	v6 =	vld.idx.msk [tilespmem:v6+s4+$0x0], $0xffff  }
0x185: {  	v4 =	vld.idx.msk [tilespmem:v4+s4+$0x0], $0xffff  }
0x186: {  	[tilespmem:s30+$0x60] =	vst v1;
	v5 =	vld.idx.msk [tilespmem:v5+s4+$0x0], $0xffff  }
0x187: {  	v1 =	vld [tilespmem:s31+$0x70];
	[tilespmem:s30+$0xFFFFFFE0] =	vst v3  }
0x188: {  	v3 =	vld [tilespmem:s31+$0xFFFFFFF0];
	[tilespmem:s0+$0x60] =	vst v2  }
0x189: {  	v2 =	vld [tilespmem:s2+$0x70];
	[tilespmem:s0+$0xFFFFFFE0] =	vst v6  }
0x18a: {  	v6 =	vld [tilespmem:s2+$0xFFFFFFF0];
	[tilespmem:s15+$0x60] =	vst v4  }
0x18b: {  	v4 =	vld [tilespmem:s14+$0x70];
	[tilespmem:s15+$0xFFFFFFE0] =	vst v5  }
0x18c: {  	v5 =	vld [tilespmem:s14+$0xFFFFFFF0];
	_ =	sdelay $0x1  }
0x18d: {  	v0 =	vld.idx.msk [tilespmem:v0+s4+$0x0], $0xffff  }
0x18e: {  	v1 =	vld.idx.msk [tilespmem:v1+s4+$0x0], $0xffff  }
0x18f: {  	v3 =	vld.idx.msk [tilespmem:v3+s4+$0x0], $0xffff  }
0x190: {  	v2 =	vld.idx.msk [tilespmem:v2+s4+$0x0], $0xffff  }
0x191: {  	v62 =	vld.idx.msk [tilespmem:v6+s4+$0x0], $0xffff  }
0x192: {  	[tilespmem:s29+$0xFFFFFFF0] =	vst v0;
	v4 =	vld.idx.msk [tilespmem:v4+s4+$0x0], $0xffff  }
0x193: {  	s26 =	sadd.s32 $0x1, s26;
	[tilespmem:s30+$0x70] =	vst v1;
	v63 =	vld.idx.msk [tilespmem:v5+s4+$0x0], $0xffff  }
0x194: {  	p0 =	sne.s32 s26, $0x40;
	[tilespmem:s30+$0xFFFFFFF0] =	vst v3  }
.Ltmp2:
0x195: {  	s30 =	sshll.u32 s28, $0xA;
	[tilespmem:s0+$0x70] =	vst v2;
	(pc) =	sbr.rel @p0 .LBB2_2-.Ltmp2, $4  }
0x196: {  	s2 =	sadd.s32 s7, s30;
	[tilespmem:s0+$0xFFFFFFF0] =	vst v62  }
0x197: {  	s31 =	sshrl.u32 s2, $0x3;
	[tilespmem:s15+$0x70] =	vst v4  }
0x198: {  	s0 =	sadd.s32 s3, s31;
	[tilespmem:s15+$0xFFFFFFF0] =	vst v63  }
0x199: {  	[hbm4b:s0+s10] =	stream.strided.scatter [tilespmem:s22], [sflag:$0x4], $0x1900, s19, s10, $0x38;
	[tilespmem:$0x1F700] =	vst v63  }
0x19a: {  	_ =	swait.ge [sflag:s23], $0x1900  }
0x19b: {  	[sflag:s23] =	ssyncset.done $0x0  }
0x19c: {  	[sflag:s23] =	ssyncadd.s32 $0xFFFFE700  }
0x19d: {  	_ =	swait.ge [sflag:s24], $0x1900  }
0x19e: {  	s25 =	sadd.s32 $0x1, s25;
	s0 =	rddreg [dreg:$0x6]  }
0x19f: {  	p0 =	sne.s32 s25, s0  }
.Ltmp3:
0x1a0: {  	_ = 	snop;
	(pc) =	sbr.rel @p0 .LBB2_1-.Ltmp3, $3  }
0x1a1: {  	_ =	sdelay $0x1  }
0x1a2: {  	[sflag:s24] =	ssyncset.done $0x0  }
0x1a3: {  	[sflag:s24] =	ssyncadd.s32 $0xFFFFE700  }
0x1a4: {  	_ =	sfence.sel $0x180000  }
0x1a5: {  	[bflag:$0x0] =	sbarrier.arrive $0xFFFF  }
0x1a6: {  	_ =	strace $0x90000047  }
0x1a7: {  	s0 =	stileid.u32;
	[bflag:$0x2] =	sbarrier.arrive $0xFFFF  }
0x1a8: {  	p0 =	sne.s32 s0, $0x0;
	s0 =	rddreg [dreg:$0x3]  }
0x1a9: {  	s0 =	sadd.s32 @!p0 $0x100000, s0  }
0x1aa: {  	[sflag:s0] =	ssyncadd.tile.s32 @!p0 $0x1;
	_ =	shalt  }
.Lfunc_end2:
_tile_overlayer_lowered:
.L_overlay_start_2:
0x1ab: {  	(tag) =	ssettag $0x2  }
0x1ac: {  	s0 =	rddreg [dreg:$0x0];
	s2 =	stileid.u32  }
0x1ad: {  	s1 =	rddreg [dreg:$0x1];
	p0 =	sne.s32 s2, $0x0  }
0x1ae: {  	s3 =	rddreg [dreg:$0x2];
	[bflag:$0x3] =	sbarrier.arrive $0xFFFF;
	s2 =	simm.s32 @!p0 $0x1C05  }
0x1af: {  	[timem:s3], [sflag:s2] =	dma.local @!p0 [hbm:s0], s1  }
0x1b0: {  	s0 =	simm.s32 @!p0 $0x5  }
0x1b1: {  	_ =	swait.ge @!p0 [sflag:s0], s1  }
0x1b2: {  	s1 =	ssub.s32 @!p0 $0x0, s1;
	[sflag:s0] =	ssyncset.done @!p0 $0x0  }
0x1b3: {  	[sflag:s0] =	ssyncadd.s32 @!p0 s1  }
0x1b4: {  	[bflag:$0x3] =	sbarrier.arrive $0xFFFF  }
0x1b5: {  	_ =	shalt  }

</sc_bundles>
